<compile_context>
chip_gen: v7x
topology: tpu7x:2x2x1
jax: 0.10.2.dev20260603
libtpu: 0.0.44.dev20260713+nightly
codegen_flags: <defaults>
</compile_context>

<pallas_src>
import dataclasses

import jax
import jax.numpy as jnp
from jax import lax
from jax.experimental import pallas as pl
from jax.experimental.pallas import tpu as pltpu
from jax.experimental.pallas import tpu_sc as plsc

N = 10000
D = 128
E = 320000
NC = 2
NS = 16
P = 10240
EP = 327680
ER = EP // 128
RPS = ER // NS
RPW = ER // (NC * NS)
SLICE = P // NS

_mesh = plsc.VectorSubcoreMesh(core_axis_name="c", subcore_axis_name="s")
_cp_no_layout = pltpu.CompilerParams()
if "needs_layout_passes" in pltpu.CompilerParams.__dataclass_fields__:
    _cp_no_layout = dataclasses.replace(_cp_no_layout, needs_layout_passes=False)


def _sc_degree(se):

    @pl.kernel(
        out_type=jax.ShapeDtypeStruct((2, P // 128, 128), jnp.float32),
        mesh=_mesh,
        compiler_params=_cp_no_layout,
        scratch_types=[
            pltpu.VMEM((RPS, 128), jnp.int32),
            pltpu.VMEM((P // 128, 128), jnp.float32),
            pltpu.VMEM_SHARED((P // 128, 128), jnp.float32),
            pltpu.SemaphoreType.DMA,
        ],
    )
    def deg_kernel(se_hbm, zer_hbm, out_hbm, idx_v, hist_v, deg_sh, sem):
        c = lax.axis_index("c")
        s = lax.axis_index("s")
        rows = P // 128
        pltpu.async_copy(zer_hbm.at[pl.ds(0, rows)], hist_v, sem).wait()

        @pl.when(s < rows // 8)
        def _():
            pltpu.sync_copy(zer_hbm.at[pl.ds(0, 8)], deg_sh.at[pl.ds(s * 8, 8)])
        pltpu.async_copy(se_hbm.at[c, pl.ds(s * RPS, RPS)], idx_v, sem).wait()
        ones16 = jnp.ones((16,), jnp.float32)

        @pl.loop(0, RPS)
        def _(r):
            @pl.loop(0, 128, step=16)
            def _(g):
                v = idx_v[r, pl.ds(g, 16)]
                plsc.addupdate_scatter(hist_v, [v >> 7, v & 127], ones16)

        plsc.subcore_barrier()
        iota16 = lax.iota(jnp.int32, 16)

        @pl.loop(0, rows, step=16)
        def _(g):
            pltpu.sync_copy(hist_v.at[pl.ds(g, 16)], deg_sh.at[iota16 + g],
                            add=True)

        plsc.subcore_barrier()

        @pl.when(s < rows // 8)
        def _():
            pltpu.sync_copy(
                deg_sh.at[pl.ds(s * 8, 8)],
                out_hbm.at[c, pl.ds(s * 8, 8)],
            )

    zer = jnp.zeros((128, 128), jnp.float32)
    return deg_kernel(se, zer)


def _sc_agg(hs, srcp, dstp):

    @pl.kernel(
        out_type=jax.ShapeDtypeStruct((2, P, 128), jnp.float32),
        mesh=_mesh,
        scratch_types=[
            pltpu.VMEM((RPW // 2, 128), jnp.int32),
            pltpu.VMEM((RPW // 2, 128), jnp.int32),
            pltpu.VMEM((128, 128), jnp.float32),
            pltpu.VMEM((128, 128), jnp.float32),
            pltpu.VMEM_SHARED((P, 128), jnp.float32),
            pltpu.SemaphoreType.DMA,
            pltpu.SemaphoreType.DMA,
            pltpu.SemaphoreType.DMA,
            pltpu.SemaphoreType.DMA,
            pltpu.SemaphoreType.DMA,
        ],
    )
    def agg_kernel(hs_hbm, src_hbm, dst_hbm, zer_hbm, out_hbm, src_v, dst_v,
                   buf_a, buf_b, agg_sh, sem, sem_a, sem_b, sem_sa, sem_sb):
        c = lax.axis_index("c")
        s = lax.axis_index("s")
        w = c * NS + s
        hrpw = RPW // 2
        for p in range(2):
            base = w * RPW + p * hrpw
            cp_s = pltpu.async_copy(src_hbm.at[pl.ds(base, hrpw)], src_v, sem)
            cp_d = pltpu.async_copy(dst_hbm.at[pl.ds(base, hrpw)], dst_v, sem)
            if p == 0:
                @pl.loop(0, SLICE, step=128)
                def _(r0):
                    pltpu.sync_copy(zer_hbm, agg_sh.at[pl.ds(s * SLICE + r0, 128)])

            cp_s.wait()
            cp_d.wait()
            pltpu.async_copy(hs_hbm.at[src_v.at[0]], buf_a, sem_a)
            pltpu.async_copy(hs_hbm.at[src_v.at[1]], buf_b, sem_b)
            if p == 0:
                plsc.subcore_barrier()

            @pl.loop(0, hrpw // 2)
            def _(j):
                i0 = 2 * j
                pltpu.make_async_copy(hs_hbm.at[src_v.at[i0]], buf_a, sem_a).wait()
                pltpu.sync_copy(buf_a, agg_sh.at[dst_v.at[i0]], add=True)

                @pl.when(j < hrpw // 2 - 1)
                def _():
                    pltpu.async_copy(hs_hbm.at[src_v.at[i0 + 2]], buf_a, sem_a)

                i1 = i0 + 1
                pltpu.make_async_copy(hs_hbm.at[src_v.at[i1]], buf_b, sem_b).wait()
                pltpu.sync_copy(buf_b, agg_sh.at[dst_v.at[i1]], add=True)

                @pl.when(j < hrpw // 2 - 1)
                def _():
                    pltpu.async_copy(hs_hbm.at[src_v.at[i1 + 2]], buf_b, sem_b)

        plsc.subcore_barrier()
        pltpu.sync_copy(
            agg_sh.at[pl.ds(s * SLICE, SLICE)],
            out_hbm.at[c, pl.ds(s * SLICE, SLICE)],
        )

    zer = jnp.zeros((128, 128), jnp.float32)
    return agg_kernel(hs, srcp, dstp, zer)


_R = 1024


def _tc_first(x_p, deg, w_in, b_in):

    def body(x_ref, dg_ref, w_ref, b_ref, o_ref):
        norm = lax.rsqrt(jnp.maximum(dg_ref[0, :, 0:1], 1.0))
        h = jnp.dot(x_ref[...], w_ref[...], preferred_element_type=jnp.float32)
        o_ref[...] = (h + b_ref[...]) * norm

    return pl.pallas_call(
        body,
        grid=(P // _R,),
        in_specs=[
            pl.BlockSpec((_R, D), lambda i: (i, 0)),
            pl.BlockSpec((1, _R, 1), lambda i: (0, i, 0)),
            pl.BlockSpec((D, D), lambda i: (0, 0)),
            pl.BlockSpec((1, D), lambda i: (0, 0)),
        ],
        out_specs=pl.BlockSpec((_R, D), lambda i: (i, 0)),
        out_shape=jax.ShapeDtypeStruct((P, D), jnp.float32),
    )(x_p, deg, w_in, b_in)


def _tc_mid(agg, deg, w_conv, b_conv):

    def body(a0_ref, a1_ref, dgi_ref, dgo_ref, w_ref, b_ref, o_ref):
        ni = lax.rsqrt(jnp.maximum(dgi_ref[0, :, 0:1], 1.0))
        no = lax.rsqrt(jnp.maximum(dgo_ref[0, :, 0:1], 1.0))
        sagg = (a0_ref[0] + a1_ref[0]) * ni
        h = jnp.dot(sagg, w_ref[...], preferred_element_type=jnp.float32)
        h = jnp.maximum(h + b_ref[...], 0.0)
        o_ref[...] = h * no

    return pl.pallas_call(
        body,
        grid=(P // _R,),
        in_specs=[
            pl.BlockSpec((1, _R, D), lambda i: (0, i, 0)),
            pl.BlockSpec((1, _R, D), lambda i: (1, i, 0)),
            pl.BlockSpec((1, _R, 1), lambda i: (1, i, 0)),
            pl.BlockSpec((1, _R, 1), lambda i: (0, i, 0)),
            pl.BlockSpec((D, D), lambda i: (0, 0)),
            pl.BlockSpec((1, D), lambda i: (0, 0)),
        ],
        out_specs=pl.BlockSpec((_R, D), lambda i: (i, 0)),
        out_shape=jax.ShapeDtypeStruct((P, D), jnp.float32),
    )(agg, agg, deg, deg, w_conv, b_conv)


def _tc_last(agg, deg, w_conv, b_conv, w_out, b_out):
    grid = P // _R

    def body(a0_ref, a1_ref, dgi_ref, w_ref, b_ref, wo_ref, bo_ref, o_ref, acc):
        i = pl.program_id(0)
        ni = lax.rsqrt(jnp.maximum(dgi_ref[0, :, 0:1], 1.0))
        sagg = (a0_ref[0] + a1_ref[0]) * ni
        h = jnp.dot(sagg, w_ref[...], preferred_element_type=jnp.float32)
        h = jnp.maximum(h + b_ref[...], 0.0)
        rows = lax.broadcasted_iota(jnp.int32, (_R, 1), 0) + i * _R
        h = jnp.where(rows < N, h, 0.0)
        part = jnp.sum(h, axis=0, keepdims=True)

        @pl.when(i == 0)
        def _():
            acc[...] = part

        @pl.when(i > 0)
        def _():
            acc[...] = acc[...] + part

        @pl.when(i == grid - 1)
        def _():
            hg = acc[...] * (1.0 / N)
            o_ref[...] = (
                jnp.dot(hg, wo_ref[...], preferred_element_type=jnp.float32)
                + bo_ref[...]
            )

    return pl.pallas_call(
        body,
        grid=(grid,),
        in_specs=[
            pl.BlockSpec((1, _R, D), lambda i: (0, i, 0)),
            pl.BlockSpec((1, _R, D), lambda i: (1, i, 0)),
            pl.BlockSpec((1, _R, 1), lambda i: (1, i, 0)),
            pl.BlockSpec((D, D), lambda i: (0, 0)),
            pl.BlockSpec((1, D), lambda i: (0, 0)),
            pl.BlockSpec((D, D), lambda i: (0, 0)),
            pl.BlockSpec((1, D), lambda i: (0, 0)),
        ],
        out_specs=pl.BlockSpec((1, D), lambda i: (0, 0)),
        out_shape=jax.ShapeDtypeStruct((1, D), jnp.float32),
        scratch_shapes=[pltpu.VMEM((1, D), jnp.float32)],
    )(agg, agg, deg, w_conv, b_conv, w_out, b_out)


def kernel(x, edge_index, W_in, b_in, W_conv, b_conv, W_out, b_out):
    src = edge_index[0].astype(jnp.int32)
    dst = edge_index[1].astype(jnp.int32)
    padi = (jnp.arange(EP - E, dtype=jnp.int32) % (P - N)) + N
    srcp = jnp.concatenate([src, padi]).reshape(ER, 128)
    dstp = jnp.concatenate([dst, padi]).reshape(ER, 128)
    se = jnp.stack([srcp, dstp])
    x_p = jnp.concatenate([x, jnp.zeros((P - N, D), jnp.float32)], axis=0)
    b_in2 = b_in.reshape(1, D)
    b_conv2 = b_conv.reshape(1, D)
    b_out2 = b_out.reshape(1, D)

    deg = _sc_degree(se).reshape(2, P, 1)
    hs0 = _tc_first(x_p, deg, W_in, b_in2)
    agg1 = _sc_agg(hs0, srcp, dstp)
    hs1 = _tc_mid(agg1, deg, W_conv, b_conv2)
    agg2 = _sc_agg(hs1, srcp, dstp)
    return _tc_last(agg2, deg, W_conv, b_conv2, W_out, b_out2)

# --- scband reference (transcript-rebuilt; emitter-appended) ---
"""Pipeline reference for scband-gcn-14070312862400 (READ-ONLY COPY).

The authoritative reference and input builder live on the scoring server;
editing this copy changes nothing except your own understanding.
"""

import jax, jax.numpy as jnp
import numpy as np

N = 10000
E = 320000
D_IN = 128
D_H = 128
D_OUT = 128
NUM_LAYERS = 2


def setup_inputs(seed: int = 0) -> dict:
    key = jax.random.key(seed)
    ks = jax.random.split(key, 8)
    x = jax.random.normal(ks[0], (N, D_IN), dtype=jnp.float32)
    edge_index = jax.random.randint(ks[1], (2, E), 0, N).astype(jnp.int64)
    # learned params (Linear: y = x @ W + b, W stored as [in, out])
    W_in = jax.random.normal(ks[2], (D_IN, D_H), dtype=jnp.float32) / np.sqrt(D_IN)
    b_in = jnp.zeros((D_H,), dtype=jnp.float32)
    W_conv = jax.random.normal(ks[3], (D_H, D_H), dtype=jnp.float32) / np.sqrt(D_H)
    b_conv = jnp.zeros((D_H,), dtype=jnp.float32)
    W_out = jax.random.normal(ks[4], (D_H, D_OUT), dtype=jnp.float32) / np.sqrt(D_H)
    b_out = jnp.zeros((D_OUT,), dtype=jnp.float32)
    return {"x": x, "edge_index": edge_index, "W_in": W_in, "b_in": b_in,
            "W_conv": W_conv, "b_conv": b_conv, "W_out": W_out, "b_out": b_out}


def reference(x, edge_index, W_in, b_in, W_conv, b_conv, W_out, b_out):
    # Single graph (batch of 1). DGL GraphConv with default norm='both':
    #   h_dst = deg_in(dst)^{-1/2} * sum_{src->dst} deg_out(src)^{-1/2} * h_src
    # zero-degree nodes use norm 1 (DGL clamps degree to >= 1).
    src = edge_index[0]
    dst = edge_index[1]
    ones_e = jnp.ones((src.shape[0],), dtype=jnp.float32)
    deg_out = jax.ops.segment_sum(ones_e, src, num_segments=N)
    deg_in = jax.ops.segment_sum(ones_e, dst, num_segments=N)
    norm_out = jnp.where(deg_out > 0, jax.lax.rsqrt(jnp.maximum(deg_out, 1.0)), 1.0)
    norm_in = jnp.where(deg_in > 0, jax.lax.rsqrt(jnp.maximum(deg_in, 1.0)), 1.0)

    h = x @ W_in + b_in
    for _ in range(NUM_LAYERS):
        hs = h * norm_out[:, None]
        msg = jnp.take(hs, src, axis=0)                      # gather
        agg = jax.ops.segment_sum(msg, dst, num_segments=N)  # scatter-add
        agg = agg * norm_in[:, None]
        h = jax.nn.relu(agg @ W_conv + b_conv)               # shared conv weights
    hg = jnp.mean(h, axis=0, keepdims=True)                  # dgl.mean_nodes, 1 graph
    out = hg @ W_out + b_out                                 # [1, D_OUT]
    # .squeeze(1) in torch is a no-op since dim 1 has size D_OUT != 1
    return out


if False:  # reference __main__ guard neutralized (emitter)
    inp = setup_inputs()
    o = reference(**inp)
    print(o.shape)

if __name__ == "__main__":
    import jax
    _d = setup_inputs()
    print(jax.jit(kernel)(*tuple(_d.values())))

</pallas_src>

<mosaic_0001>
#map = affine_map<(d0, d1) -> (0, 0, 0)>
#map1 = affine_map<(d0, d1) -> (0, 0)>
module attributes {stable_mosaic.version = 14 : i64} {
  func.func @deg_kernel(%arg0: i32, %arg1: i32, %arg2: memref<2x2560x128xi32, #tpu.memory_space<hbm>>, %arg3: memref<128x128xf32, #tpu.memory_space<hbm>>, %arg4: memref<2x80x128xf32, #tpu.memory_space<hbm>>, %arg5: memref<160x128xi32, #tpu.memory_space<vmem>>, %arg6: memref<80x128xf32, #tpu.memory_space<vmem>>, %arg7: memref<80x128xf32, #tpu.memory_space<vmem_shared>>, %arg8: memref<!tpu.dma_semaphore, #tpu.memory_space<semaphore_mem>>) attributes {dimension_semantics = [#tpu.dimension_semantics<core_parallel>, #tpu.dimension_semantics<subcore_parallel>], iteration_bounds = array<i64: 2, 16>, scalar_prefetch = 0 : i64, scratch_operands = 4 : i64, tpu.core_type = #tpu.core_type<sc_vector_subcore>, window_params = [{transform_indices = #map}, {transform_indices = #map1}, {transform_indices = #map}]} {
    %dma_start3A = arith.constant 0 : i32
    %dma_start3A_0 = arith.constant 0 : i32
    %dma_start3A_1 = tpu.memref_slice %arg3[%dma_start3A, %dma_start3A_0] : memref<128x128xf32, #tpu.memory_space<hbm>> -> memref<80x128xf32, #tpu.memory_space<hbm>>
    %dma_start3A_2 = arith.constant 0 : i32
    %dma_start3A_3 = arith.constant 0 : i32
    %dma_start3A_4 = tpu.memref_slice %arg3[%dma_start3A_2, %dma_start3A_3] : memref<128x128xf32, #tpu.memory_space<hbm>> -> memref<80x128xf32, #tpu.memory_space<hbm>>
    tpu.enqueue_dma source(%dma_start3A_4 : memref<80x128xf32, #tpu.memory_space<hbm>>) target(%arg6 : memref<80x128xf32, #tpu.memory_space<vmem>>) target_semaphore(%arg8 : memref<!tpu.dma_semaphore, #tpu.memory_space<semaphore_mem>>)
    %dma_wait3A = arith.constant 0 : i32
    %dma_wait3A_5 = arith.constant 0 : i32
    %dma_wait3A_6 = tpu.memref_slice %arg3[%dma_wait3A, %dma_wait3A_5] : memref<128x128xf32, #tpu.memory_space<hbm>> -> memref<80x128xf32, #tpu.memory_space<hbm>>
    %dma_wait3A_7 = arith.constant 0 : i32
    %dma_wait3A_8 = arith.constant 0 : i32
    %dma_wait3A_9 = tpu.memref_slice %arg3[%dma_wait3A_7, %dma_wait3A_8] : memref<128x128xf32, #tpu.memory_space<hbm>> -> memref<80x128xf32, #tpu.memory_space<hbm>>
    tpu.wait_dma2 semaphore(%arg8 : memref<!tpu.dma_semaphore, #tpu.memory_space<semaphore_mem>>) src(%dma_wait3A_9 : memref<80x128xf32, #tpu.memory_space<hbm>>) dst(%arg6 : memref<80x128xf32, #tpu.memory_space<vmem>>)
    %lt3A = arith.constant 10 : i32
    %lt3A_10 = arith.cmpi slt, %arg1, %lt3A : i32
    %convert_element_type3A = arith.extui %lt3A_10 : i1 to i32
    %cond3A = arith.constant 0 : i32
    %cond3A_11 = arith.cmpi ne, %convert_element_type3A, %cond3A : i32
    scf.if %cond3A_11 {
      %mul3A_41 = arith.constant 8 : i32
      %mul3A_42 = arith.muli %arg1, %mul3A_41 : i32
      "tpu.region"() ({
        %run_scoped3A = tpu.sem_alloc : memref<!tpu.dma_semaphore, #tpu.memory_space<semaphore_mem>>
        %dma_start3A_43 = arith.constant 0 : i32
        %dma_start3A_44 = tpu.memref_slice %arg7[%mul3A_42, %dma_start3A_43] : memref<80x128xf32, #tpu.memory_space<vmem_shared>> -> memref<8x128xf32, #tpu.memory_space<vmem_shared>>
        %dma_start3A_45 = arith.constant 0 : i32
        %dma_start3A_46 = arith.constant 0 : i32
        %dma_start3A_47 = tpu.memref_slice %arg3[%dma_start3A_45, %dma_start3A_46] : memref<128x128xf32, #tpu.memory_space<hbm>> -> memref<8x128xf32, #tpu.memory_space<hbm>>
        tpu.enqueue_dma source(%dma_start3A_47 : memref<8x128xf32, #tpu.memory_space<hbm>>) target(%dma_start3A_44 : memref<8x128xf32, #tpu.memory_space<vmem_shared>>) target_semaphore(%run_scoped3A : memref<!tpu.dma_semaphore, #tpu.memory_space<semaphore_mem>>)
        %dma_wait3A_48 = arith.constant 0 : i32
        %dma_wait3A_49 = tpu.memref_slice %arg7[%mul3A_42, %dma_wait3A_48] : memref<80x128xf32, #tpu.memory_space<vmem_shared>> -> memref<8x128xf32, #tpu.memory_space<vmem_shared>>
        %dma_wait3A_50 = arith.constant 0 : i32
        %dma_wait3A_51 = arith.constant 0 : i32
        %dma_wait3A_52 = tpu.memref_slice %arg3[%dma_wait3A_50, %dma_wait3A_51] : memref<128x128xf32, #tpu.memory_space<hbm>> -> memref<8x128xf32, #tpu.memory_space<hbm>>
        tpu.wait_dma2 semaphore(%run_scoped3A : memref<!tpu.dma_semaphore, #tpu.memory_space<semaphore_mem>>) src(%dma_wait3A_52 : memref<8x128xf32, #tpu.memory_space<hbm>>) dst(%dma_wait3A_49 : memref<8x128xf32, #tpu.memory_space<vmem_shared>>)
        tpu.yield
      }) : () -> ()
    } else {
    }
    %mul3A = arith.constant 160 : i32
    %mul3A_12 = arith.muli %arg1, %mul3A : i32
    %dma_start3A_13 = arith.constant 0 : i32
    %dma_start3A_14 = tpu.memref_slice %arg2[%arg0, %mul3A_12, %dma_start3A_13] : memref<2x2560x128xi32, #tpu.memory_space<hbm>> -> memref<1x160x128xi32, #tpu.memory_space<hbm>>
    %dma_start3A_15 = tpu.memref_squeeze %dma_start3A_14 : memref<1x160x128xi32, #tpu.memory_space<hbm>> -> memref<160x128xi32, #tpu.memory_space<hbm>>
    %dma_start3A_16 = arith.constant 0 : i32
    %dma_start3A_17 = tpu.memref_slice %arg2[%arg0, %mul3A_12, %dma_start3A_16] : memref<2x2560x128xi32, #tpu.memory_space<hbm>> -> memref<1x160x128xi32, #tpu.memory_space<hbm>>
    %dma_start3A_18 = tpu.memref_squeeze %dma_start3A_17 : memref<1x160x128xi32, #tpu.memory_space<hbm>> -> memref<160x128xi32, #tpu.memory_space<hbm>>
    tpu.enqueue_dma source(%dma_start3A_18 : memref<160x128xi32, #tpu.memory_space<hbm>>) target(%arg5 : memref<160x128xi32, #tpu.memory_space<vmem>>) target_semaphore(%arg8 : memref<!tpu.dma_semaphore, #tpu.memory_space<semaphore_mem>>)
    %dma_wait3A_19 = arith.constant 0 : i32
    %dma_wait3A_20 = tpu.memref_slice %arg2[%arg0, %mul3A_12, %dma_wait3A_19] : memref<2x2560x128xi32, #tpu.memory_space<hbm>> -> memref<1x160x128xi32, #tpu.memory_space<hbm>>
    %dma_wait3A_21 = tpu.memref_squeeze %dma_wait3A_20 : memref<1x160x128xi32, #tpu.memory_space<hbm>> -> memref<160x128xi32, #tpu.memory_space<hbm>>
    %dma_wait3A_22 = arith.constant 0 : i32
    %dma_wait3A_23 = tpu.memref_slice %arg2[%arg0, %mul3A_12, %dma_wait3A_22] : memref<2x2560x128xi32, #tpu.memory_space<hbm>> -> memref<1x160x128xi32, #tpu.memory_space<hbm>>
    %dma_wait3A_24 = tpu.memref_squeeze %dma_wait3A_23 : memref<1x160x128xi32, #tpu.memory_space<hbm>> -> memref<160x128xi32, #tpu.memory_space<hbm>>
    tpu.wait_dma2 semaphore(%arg8 : memref<!tpu.dma_semaphore, #tpu.memory_space<semaphore_mem>>) src(%dma_wait3A_24 : memref<160x128xi32, #tpu.memory_space<hbm>>) dst(%arg5 : memref<160x128xi32, #tpu.memory_space<vmem>>)
    %broadcast_in_dim3A = arith.constant 1.000000e+00 : f32
    %broadcast_in_dim3A_25 = vector.broadcast %broadcast_in_dim3A : f32 to vector<16xf32>
    %scan3A = arith.constant 0 : i32
    %scan3A_26 = arith.constant 160 : i32
    %scan3A_27 = arith.addi %scan3A, %scan3A_26 : i32
    %scan3A_28 = arith.constant 1 : i32
    scf.for %scan3A_41 = %scan3A to %scan3A_27 step %scan3A_28  : i32 {
      %mul3A_42 = arith.constant 1 : i32
      %mul3A_43 = arith.muli %scan3A_41, %mul3A_42 : i32
      %add3A = arith.constant 0 : i32
      %add3A_44 = arith.addi %add3A, %mul3A_43 : i32
      %scan3A_45 = arith.constant 0 : i32
      %scan3A_46 = arith.constant 8 : i32
      %scan3A_47 = arith.addi %scan3A_45, %scan3A_46 : i32
      %scan3A_48 = arith.constant 1 : i32
      scf.for %scan3A_50 = %scan3A_45 to %scan3A_47 step %scan3A_48  : i32 {
        %mul3A_51 = arith.constant 16 : i32
        %mul3A_52 = arith.muli %scan3A_50, %mul3A_51 : i32
        %add3A_53 = arith.constant 0 : i32
        %add3A_54 = arith.addi %add3A_53, %mul3A_52 : i32
        %get3A = arith.index_cast %add3A_44 : i32 to index
        %get3A_55 = arith.index_cast %add3A_54 : i32 to index
        %get3A_56 = tpu.vector_load %arg5[%get3A, %get3A_55] {strides = array<i32>} : memref<160x128xi32, #tpu.memory_space<vmem>>, vector<16xi32>,
        %shift_right_arithmetic3A = arith.constant 7 : i32
        %shift_right_arithmetic3A_57 = vector.broadcast %shift_right_arithmetic3A : i32 to vector<16xi32>
        %shift_right_arithmetic3A_58 = arith.shrsi %get3A_56, %shift_right_arithmetic3A_57 : vector<16xi32>
        %and3A = arith.constant 127 : i32
        %and3A_59 = vector.broadcast %and3A : i32 to vector<16xi32>
        %and3A_60 = arith.andi %get3A_56, %and3A_59 : vector<16xi32>
        tpu.vector_store_idx %arg6[%shift_right_arithmetic3A_58, %and3A_60], %broadcast_in_dim3A_25 {add = true} : memref<80x128xf32, #tpu.memory_space<vmem>>[vector<16xi32>, vector<16xi32>], vector<16xf32>,
      }
      %scan3A_49 = arith.constant 8 : i32
    }
    %scan3A_29 = arith.constant 160 : i32
    %barrier3A = arith.constant 0 : index
    tpu.barrier barrier_id(%barrier3A)
    %iota3A = tpu.iota {dimensions = array<i32: 0>} : vector<16xi32>
    %scan3A_30 = arith.constant 0 : i32
    %scan3A_31 = arith.constant 5 : i32
    %scan3A_32 = arith.addi %scan3A_30, %scan3A_31 : i32
    %scan3A_33 = arith.constant 1 : i32
    scf.for %scan3A_41 = %scan3A_30 to %scan3A_32 step %scan3A_33  : i32 {
      %mul3A_42 = arith.constant 16 : i32
      %mul3A_43 = arith.muli %scan3A_41, %mul3A_42 : i32
      %add3A = arith.constant 0 : i32
      %add3A_44 = arith.addi %add3A, %mul3A_43 : i32
      %add3A_45 = vector.broadcast %add3A_44 : i32 to vector<16xi32>
      %add3A_46 = arith.addi %iota3A, %add3A_45 : vector<16xi32>
      "tpu.region"() ({
        %run_scoped3A = tpu.sem_alloc : memref<!tpu.dma_semaphore, #tpu.memory_space<semaphore_mem>>
        %dma_start3A_47 = arith.constant 0 : i32
        %dma_start3A_48 = tpu.memref_slice %arg6[%add3A_44, %dma_start3A_47] : memref<80x128xf32, #tpu.memory_space<vmem>> -> memref<16x128xf32, #tpu.memory_space<vmem>>
        %dma_start3A_49 = arith.constant 0 : i32
        %dma_start3A_50 = arith.constant 0 : i32
        %dma_start3A_51 = tpu.memref_slice %arg7[%dma_start3A_49, %dma_start3A_50] : memref<80x128xf32, #tpu.memory_space<vmem_shared>> -> memref<80x128xf32, #tpu.memory_space<vmem_shared>>
        tpu.enqueue_indirect_dma source(%dma_start3A_48 : memref<16x128xf32, #tpu.memory_space<vmem>>) target(%dma_start3A_51 : memref<80x128xf32, #tpu.memory_space<vmem_shared>>) offsets(%add3A_46 : vector<16xi32>) semaphore(%run_scoped3A : memref<!tpu.dma_semaphore, #tpu.memory_space<semaphore_mem>>) {add = true}
        %dma_wait3A_52 = arith.constant 0 : i32
        %dma_wait3A_53 = tpu.memref_slice %arg6[%add3A_44, %dma_wait3A_52] : memref<80x128xf32, #tpu.memory_space<vmem>> -> memref<16x128xf32, #tpu.memory_space<vmem>>
        %dma_wait3A_54 = arith.constant 0 : i32
        %dma_wait3A_55 = arith.constant 0 : i32
        %dma_wait3A_56 = tpu.memref_slice %arg7[%dma_wait3A_54, %dma_wait3A_55] : memref<80x128xf32, #tpu.memory_space<vmem_shared>> -> memref<80x128xf32, #tpu.memory_space<vmem_shared>>
        tpu.wait_indirect_dma semaphore(%run_scoped3A : memref<!tpu.dma_semaphore, #tpu.memory_space<semaphore_mem>>) src(%dma_wait3A_53 : memref<16x128xf32, #tpu.memory_space<vmem>>) dst(%dma_wait3A_56 : memref<80x128xf32, #tpu.memory_space<vmem_shared>>)
        tpu.yield
      }) : () -> ()
    }
    %scan3A_34 = arith.constant 5 : i32
    %barrier3A_35 = arith.constant 0 : index
    tpu.barrier barrier_id(%barrier3A_35)
    %lt3A_36 = arith.constant 10 : i32
    %lt3A_37 = arith.cmpi slt, %arg1, %lt3A_36 : i32
    %convert_element_type3A_38 = arith.extui %lt3A_37 : i1 to i32
    %cond3A_39 = arith.constant 0 : i32
    %cond3A_40 = arith.cmpi ne, %convert_element_type3A_38, %cond3A_39 : i32
    scf.if %cond3A_40 {
      %mul3A_41 = arith.constant 8 : i32
      %mul3A_42 = arith.muli %arg1, %mul3A_41 : i32
      %mul3A_43 = arith.constant 8 : i32
      %mul3A_44 = arith.muli %arg1, %mul3A_43 : i32
      "tpu.region"() ({
        %run_scoped3A = tpu.sem_alloc : memref<!tpu.dma_semaphore, #tpu.memory_space<semaphore_mem>>
        %dma_start3A_45 = arith.constant 0 : i32
        %dma_start3A_46 = tpu.memref_slice %arg4[%arg0, %mul3A_44, %dma_start3A_45] : memref<2x80x128xf32, #tpu.memory_space<hbm>> -> memref<1x8x128xf32, #tpu.memory_space<hbm>>
        %dma_start3A_47 = tpu.memref_squeeze %dma_start3A_46 : memref<1x8x128xf32, #tpu.memory_space<hbm>> -> memref<8x128xf32, #tpu.memory_space<hbm>>
        %dma_start3A_48 = arith.constant 0 : i32
        %dma_start3A_49 = tpu.memref_slice %arg7[%mul3A_42, %dma_start3A_48] : memref<80x128xf32, #tpu.memory_space<vmem_shared>> -> memref<8x128xf32, #tpu.memory_space<vmem_shared>>
        tpu.enqueue_dma source(%dma_start3A_49 : memref<8x128xf32, #tpu.memory_space<vmem_shared>>) target(%dma_start3A_47 : memref<8x128xf32, #tpu.memory_space<hbm>>) target_semaphore(%run_scoped3A : memref<!tpu.dma_semaphore, #tpu.memory_space<semaphore_mem>>)
        %dma_wait3A_50 = arith.constant 0 : i32
        %dma_wait3A_51 = tpu.memref_slice %arg4[%arg0, %mul3A_44, %dma_wait3A_50] : memref<2x80x128xf32, #tpu.memory_space<hbm>> -> memref<1x8x128xf32, #tpu.memory_space<hbm>>
        %dma_wait3A_52 = tpu.memref_squeeze %dma_wait3A_51 : memref<1x8x128xf32, #tpu.memory_space<hbm>> -> memref<8x128xf32, #tpu.memory_space<hbm>>
        %dma_wait3A_53 = arith.constant 0 : i32
        %dma_wait3A_54 = tpu.memref_slice %arg7[%mul3A_42, %dma_wait3A_53] : memref<80x128xf32, #tpu.memory_space<vmem_shared>> -> memref<8x128xf32, #tpu.memory_space<vmem_shared>>
        tpu.wait_dma2 semaphore(%run_scoped3A : memref<!tpu.dma_semaphore, #tpu.memory_space<semaphore_mem>>) src(%dma_wait3A_54 : memref<8x128xf32, #tpu.memory_space<vmem_shared>>) dst(%dma_wait3A_52 : memref<8x128xf32, #tpu.memory_space<hbm>>)
        tpu.yield
      }) : () -> ()
    } else {
    }
    return
  }
}

#map = affine_map<(d0, d1) -> (0, 0)>
#map1 = affine_map<(d0, d1) -> (0, 0, 0)>
module attributes {stable_mosaic.version = 14 : i64} {
  func.func @agg_kernel(%arg0: i32, %arg1: i32, %arg2: memref<10240x128xf32, #tpu.memory_space<hbm>>, %arg3: memref<2560x128xi32, #tpu.memory_space<hbm>>, %arg4: memref<2560x128xi32, #tpu.memory_space<hbm>>, %arg5: memref<128x128xf32, #tpu.memory_space<hbm>>, %arg6: memref<2x10240x128xf32, #tpu.memory_space<hbm>>, %arg7: memref<40x128xi32, #tpu.memory_space<vmem>>, %arg8: memref<40x128xi32, #tpu.memory_space<vmem>>, %arg9: memref<128x128xf32, #tpu.memory_space<vmem>>, %arg10: memref<128x128xf32, #tpu.memory_space<vmem>>, %arg11: memref<10240x128xf32, #tpu.memory_space<vmem_shared>>, %arg12: memref<!tpu.dma_semaphore, #tpu.memory_space<semaphore_mem>>, %arg13: memref<!tpu.dma_semaphore, #tpu.memory_space<semaphore_mem>>, %arg14: memref<!tpu.dma_semaphore, #tpu.memory_space<semaphore_mem>>, %arg15: memref<!tpu.dma_semaphore, #tpu.memory_space<semaphore_mem>>, %arg16: memref<!tpu.dma_semaphore, #tpu.memory_space<semaphore_mem>>) attributes {dimension_semantics = [#tpu.dimension_semantics<core_parallel>, #tpu.dimension_semantics<subcore_parallel>], iteration_bounds = array<i64: 2, 16>, scalar_prefetch = 0 : i64, scratch_operands = 10 : i64, tpu.core_type = #tpu.core_type<sc_vector_subcore>, window_params = [{transform_indices = #map}, {transform_indices = #map}, {transform_indices = #map}, {transform_indices = #map}, {transform_indices = #map1}]} {
    %mul3A = arith.constant 16 : i32
    %mul3A_0 = arith.muli %arg0, %mul3A : i32
    %add3A = arith.addi %mul3A_0, %arg1 : i32
    %mul3A_1 = arith.constant 80 : i32
    %mul3A_2 = arith.muli %add3A, %mul3A_1 : i32
    %add3A_3 = arith.constant 0 : i32
    %add3A_4 = arith.addi %mul3A_2, %add3A_3 : i32
    %dma_start3A = arith.constant 0 : i32
    %dma_start3A_5 = tpu.memref_slice %arg3[%add3A_4, %dma_start3A] : memref<2560x128xi32, #tpu.memory_space<hbm>> -> memref<40x128xi32, #tpu.memory_space<hbm>>
    %dma_start3A_6 = arith.constant 0 : i32
    %dma_start3A_7 = tpu.memref_slice %arg3[%add3A_4, %dma_start3A_6] : memref<2560x128xi32, #tpu.memory_space<hbm>> -> memref<40x128xi32, #tpu.memory_space<hbm>>
    tpu.enqueue_dma source(%dma_start3A_7 : memref<40x128xi32, #tpu.memory_space<hbm>>) target(%arg7 : memref<40x128xi32, #tpu.memory_space<vmem>>) target_semaphore(%arg12 : memref<!tpu.dma_semaphore, #tpu.memory_space<semaphore_mem>>)
    %dma_start3A_8 = arith.constant 0 : i32
    %dma_start3A_9 = tpu.memref_slice %arg4[%add3A_4, %dma_start3A_8] : memref<2560x128xi32, #tpu.memory_space<hbm>> -> memref<40x128xi32, #tpu.memory_space<hbm>>
    %dma_start3A_10 = arith.constant 0 : i32
    %dma_start3A_11 = tpu.memref_slice %arg4[%add3A_4, %dma_start3A_10] : memref<2560x128xi32, #tpu.memory_space<hbm>> -> memref<40x128xi32, #tpu.memory_space<hbm>>
    tpu.enqueue_dma source(%dma_start3A_11 : memref<40x128xi32, #tpu.memory_space<hbm>>) target(%arg8 : memref<40x128xi32, #tpu.memory_space<vmem>>) target_semaphore(%arg12 : memref<!tpu.dma_semaphore, #tpu.memory_space<semaphore_mem>>)
    %scan3A = arith.constant 0 : i32
    %scan3A_12 = arith.constant 5 : i32
    %scan3A_13 = arith.addi %scan3A, %scan3A_12 : i32
    %scan3A_14 = arith.constant 1 : i32
    scf.for %scan3A_86 = %scan3A to %scan3A_13 step %scan3A_14  : i32 {
      %mul3A_87 = arith.constant 128 : i32
      %mul3A_88 = arith.muli %scan3A_86, %mul3A_87 : i32
      %add3A_89 = arith.constant 0 : i32
      %add3A_90 = arith.addi %add3A_89, %mul3A_88 : i32
      %mul3A_91 = arith.constant 640 : i32
      %mul3A_92 = arith.muli %arg1, %mul3A_91 : i32
      %add3A_93 = arith.addi %mul3A_92, %add3A_90 : i32
      "tpu.region"() ({
        %run_scoped3A = tpu.sem_alloc : memref<!tpu.dma_semaphore, #tpu.memory_space<semaphore_mem>>
        %dma_start3A_94 = arith.constant 0 : i32
        %dma_start3A_95 = tpu.memref_slice %arg11[%add3A_93, %dma_start3A_94] : memref<10240x128xf32, #tpu.memory_space<vmem_shared>> -> memref<128x128xf32, #tpu.memory_space<vmem_shared>>
        tpu.enqueue_dma source(%arg5 : memref<128x128xf32, #tpu.memory_space<hbm>>) target(%dma_start3A_95 : memref<128x128xf32, #tpu.memory_space<vmem_shared>>) target_semaphore(%run_scoped3A : memref<!tpu.dma_semaphore, #tpu.memory_space<semaphore_mem>>)
        %dma_wait3A_96 = arith.constant 0 : i32
        %dma_wait3A_97 = tpu.memref_slice %arg11[%add3A_93, %dma_wait3A_96] : memref<10240x128xf32, #tpu.memory_space<vmem_shared>> -> memref<128x128xf32, #tpu.memory_space<vmem_shared>>
        tpu.wait_dma2 semaphore(%run_scoped3A : memref<!tpu.dma_semaphore, #tpu.memory_space<semaphore_mem>>) src(%arg5 : memref<128x128xf32, #tpu.memory_space<hbm>>) dst(%dma_wait3A_97 : memref<128x128xf32, #tpu.memory_space<vmem_shared>>)
        tpu.yield
      }) : () -> ()
    }
    %scan3A_15 = arith.constant 5 : i32
    %dma_wait3A = arith.constant 0 : i32
    %dma_wait3A_16 = tpu.memref_slice %arg3[%add3A_4, %dma_wait3A] : memref<2560x128xi32, #tpu.memory_space<hbm>> -> memref<40x128xi32, #tpu.memory_space<hbm>>
    %dma_wait3A_17 = arith.constant 0 : i32
    %dma_wait3A_18 = tpu.memref_slice %arg3[%add3A_4, %dma_wait3A_17] : memref<2560x128xi32, #tpu.memory_space<hbm>> -> memref<40x128xi32, #tpu.memory_space<hbm>>
    tpu.wait_dma2 semaphore(%arg12 : memref<!tpu.dma_semaphore, #tpu.memory_space<semaphore_mem>>) src(%dma_wait3A_18 : memref<40x128xi32, #tpu.memory_space<hbm>>) dst(%arg7 : memref<40x128xi32, #tpu.memory_space<vmem>>)
    %dma_wait3A_19 = arith.constant 0 : i32
    %dma_wait3A_20 = tpu.memref_slice %arg4[%add3A_4, %dma_wait3A_19] : memref<2560x128xi32, #tpu.memory_space<hbm>> -> memref<40x128xi32, #tpu.memory_space<hbm>>
    %dma_wait3A_21 = arith.constant 0 : i32
    %dma_wait3A_22 = tpu.memref_slice %arg4[%add3A_4, %dma_wait3A_21] : memref<2560x128xi32, #tpu.memory_space<hbm>> -> memref<40x128xi32, #tpu.memory_space<hbm>>
    tpu.wait_dma2 semaphore(%arg12 : memref<!tpu.dma_semaphore, #tpu.memory_space<semaphore_mem>>) src(%dma_wait3A_22 : memref<40x128xi32, #tpu.memory_space<hbm>>) dst(%arg8 : memref<40x128xi32, #tpu.memory_space<vmem>>)
    %dma_start3A_23 = arith.constant 0 : i32
    %dma_start3A_24 = arith.constant 0 : i32
    %dma_start3A_25 = tpu.memref_slice %arg7[%dma_start3A_23, %dma_start3A_24] : memref<40x128xi32, #tpu.memory_space<vmem>> -> memref<1x128xi32, #tpu.memory_space<vmem>>
    %dma_start3A_26 = tpu.memref_squeeze %dma_start3A_25 : memref<1x128xi32, #tpu.memory_space<vmem>> -> memref<128xi32, #tpu.memory_space<vmem>>
    %dma_start3A_27 = arith.constant 0 : i32
    %dma_start3A_28 = arith.constant 0 : i32
    %dma_start3A_29 = tpu.memref_slice %arg2[%dma_start3A_27, %dma_start3A_28] : memref<10240x128xf32, #tpu.memory_space<hbm>> -> memref<10240x128xf32, #tpu.memory_space<hbm>>
    tpu.enqueue_indirect_dma source(%dma_start3A_29 : memref<10240x128xf32, #tpu.memory_space<hbm>>) target(%arg9 : memref<128x128xf32, #tpu.memory_space<vmem>>) offsets(%dma_start3A_26 : memref<128xi32, #tpu.memory_space<vmem>>) semaphore(%arg13 : memref<!tpu.dma_semaphore, #tpu.memory_space<semaphore_mem>>)
    %dma_start3A_30 = arith.constant 1 : i32
    %dma_start3A_31 = arith.constant 0 : i32
    %dma_start3A_32 = tpu.memref_slice %arg7[%dma_start3A_30, %dma_start3A_31] : memref<40x128xi32, #tpu.memory_space<vmem>> -> memref<1x128xi32, #tpu.memory_space<vmem>>
    %dma_start3A_33 = tpu.memref_squeeze %dma_start3A_32 : memref<1x128xi32, #tpu.memory_space<vmem>> -> memref<128xi32, #tpu.memory_space<vmem>>
    %dma_start3A_34 = arith.constant 0 : i32
    %dma_start3A_35 = arith.constant 0 : i32
    %dma_start3A_36 = tpu.memref_slice %arg2[%dma_start3A_34, %dma_start3A_35] : memref<10240x128xf32, #tpu.memory_space<hbm>> -> memref<10240x128xf32, #tpu.memory_space<hbm>>
    tpu.enqueue_indirect_dma source(%dma_start3A_36 : memref<10240x128xf32, #tpu.memory_space<hbm>>) target(%arg10 : memref<128x128xf32, #tpu.memory_space<vmem>>) offsets(%dma_start3A_33 : memref<128xi32, #tpu.memory_space<vmem>>) semaphore(%arg14 : memref<!tpu.dma_semaphore, #tpu.memory_space<semaphore_mem>>)
    %barrier3A = arith.constant 0 : index
    tpu.barrier barrier_id(%barrier3A)
    %scan3A_37 = arith.constant 0 : i32
    %scan3A_38 = arith.constant 20 : i32
    %scan3A_39 = arith.addi %scan3A_37, %scan3A_38 : i32
    %scan3A_40 = arith.constant 1 : i32
    scf.for %scan3A_86 = %scan3A_37 to %scan3A_39 step %scan3A_40  : i32 {
      %mul3A_87 = arith.constant 1 : i32
      %mul3A_88 = arith.muli %scan3A_86, %mul3A_87 : i32
      %add3A_89 = arith.constant 0 : i32
      %add3A_90 = arith.addi %add3A_89, %mul3A_88 : i32
      %mul3A_91 = arith.constant 2 : i32
      %mul3A_92 = arith.muli %mul3A_91, %add3A_90 : i32
      %dma_wait3A_93 = arith.constant 0 : i32
      %dma_wait3A_94 = tpu.memref_slice %arg7[%mul3A_92, %dma_wait3A_93] : memref<40x128xi32, #tpu.memory_space<vmem>> -> memref<1x128xi32, #tpu.memory_space<vmem>>
      %dma_wait3A_95 = tpu.memref_squeeze %dma_wait3A_94 : memref<1x128xi32, #tpu.memory_space<vmem>> -> memref<128xi32, #tpu.memory_space<vmem>>
      %dma_wait3A_96 = arith.constant 0 : i32
      %dma_wait3A_97 = arith.constant 0 : i32
      %dma_wait3A_98 = tpu.memref_slice %arg2[%dma_wait3A_96, %dma_wait3A_97] : memref<10240x128xf32, #tpu.memory_space<hbm>> -> memref<10240x128xf32, #tpu.memory_space<hbm>>
      tpu.wait_indirect_dma semaphore(%arg13 : memref<!tpu.dma_semaphore, #tpu.memory_space<semaphore_mem>>) src(%dma_wait3A_98 : memref<10240x128xf32, #tpu.memory_space<hbm>>) dst(%arg9 : memref<128x128xf32, #tpu.memory_space<vmem>>)
      "tpu.region"() ({
        %run_scoped3A = tpu.sem_alloc : memref<!tpu.dma_semaphore, #tpu.memory_space<semaphore_mem>>
        %dma_start3A_114 = arith.constant 0 : i32
        %dma_start3A_115 = tpu.memref_slice %arg8[%mul3A_92, %dma_start3A_114] : memref<40x128xi32, #tpu.memory_space<vmem>> -> memref<1x128xi32, #tpu.memory_space<vmem>>
        %dma_start3A_116 = tpu.memref_squeeze %dma_start3A_115 : memref<1x128xi32, #tpu.memory_space<vmem>> -> memref<128xi32, #tpu.memory_space<vmem>>
        %dma_start3A_117 = arith.constant 0 : i32
        %dma_start3A_118 = arith.constant 0 : i32
        %dma_start3A_119 = tpu.memref_slice %arg11[%dma_start3A_117, %dma_start3A_118] : memref<10240x128xf32, #tpu.memory_space<vmem_shared>> -> memref<10240x128xf32, #tpu.memory_space<vmem_shared>>
        tpu.enqueue_indirect_dma source(%arg9 : memref<128x128xf32, #tpu.memory_space<vmem>>) target(%dma_start3A_119 : memref<10240x128xf32, #tpu.memory_space<vmem_shared>>) offsets(%dma_start3A_116 : memref<128xi32, #tpu.memory_space<vmem>>) semaphore(%run_scoped3A : memref<!tpu.dma_semaphore, #tpu.memory_space<semaphore_mem>>) {add = true}
        %dma_wait3A_120 = arith.constant 0 : i32
        %dma_wait3A_121 = tpu.memref_slice %arg8[%mul3A_92, %dma_wait3A_120] : memref<40x128xi32, #tpu.memory_space<vmem>> -> memref<1x128xi32, #tpu.memory_space<vmem>>
        %dma_wait3A_122 = tpu.memref_squeeze %dma_wait3A_121 : memref<1x128xi32, #tpu.memory_space<vmem>> -> memref<128xi32, #tpu.memory_space<vmem>>
        %dma_wait3A_123 = arith.constant 0 : i32
        %dma_wait3A_124 = arith.constant 0 : i32
        %dma_wait3A_125 = tpu.memref_slice %arg11[%dma_wait3A_123, %dma_wait3A_124] : memref<10240x128xf32, #tpu.memory_space<vmem_shared>> -> memref<10240x128xf32, #tpu.memory_space<vmem_shared>>
        tpu.wait_indirect_dma semaphore(%run_scoped3A : memref<!tpu.dma_semaphore, #tpu.memory_space<semaphore_mem>>) src(%arg9 : memref<128x128xf32, #tpu.memory_space<vmem>>) dst(%dma_wait3A_125 : memref<10240x128xf32, #tpu.memory_space<vmem_shared>>)
        tpu.yield
      }) : () -> ()
      %lt3A = arith.constant 19 : i32
      %lt3A_99 = arith.cmpi slt, %add3A_90, %lt3A : i32
      %convert_element_type3A = arith.extui %lt3A_99 : i1 to i32
      %cond3A = arith.constant 0 : i32
      %cond3A_100 = arith.cmpi ne, %convert_element_type3A, %cond3A : i32
      scf.if %cond3A_100 {
        %add3A_114 = arith.constant 2 : i32
        %add3A_115 = arith.addi %mul3A_92, %add3A_114 : i32
        %dma_start3A_116 = arith.constant 0 : i32
        %dma_start3A_117 = tpu.memref_slice %arg7[%add3A_115, %dma_start3A_116] : memref<40x128xi32, #tpu.memory_space<vmem>> -> memref<1x128xi32, #tpu.memory_space<vmem>>
        %dma_start3A_118 = tpu.memref_squeeze %dma_start3A_117 : memref<1x128xi32, #tpu.memory_space<vmem>> -> memref<128xi32, #tpu.memory_space<vmem>>
        %dma_start3A_119 = arith.constant 0 : i32
        %dma_start3A_120 = arith.constant 0 : i32
        %dma_start3A_121 = tpu.memref_slice %arg2[%dma_start3A_119, %dma_start3A_120] : memref<10240x128xf32, #tpu.memory_space<hbm>> -> memref<10240x128xf32, #tpu.memory_space<hbm>>
        tpu.enqueue_indirect_dma source(%dma_start3A_121 : memref<10240x128xf32, #tpu.memory_space<hbm>>) target(%arg9 : memref<128x128xf32, #tpu.memory_space<vmem>>) offsets(%dma_start3A_118 : memref<128xi32, #tpu.memory_space<vmem>>) semaphore(%arg13 : memref<!tpu.dma_semaphore, #tpu.memory_space<semaphore_mem>>)
      } else {
      }
      %add3A_101 = arith.constant 1 : i32
      %add3A_102 = arith.addi %mul3A_92, %add3A_101 : i32
      %dma_wait3A_103 = arith.constant 0 : i32
      %dma_wait3A_104 = tpu.memref_slice %arg7[%add3A_102, %dma_wait3A_103] : memref<40x128xi32, #tpu.memory_space<vmem>> -> memref<1x128xi32, #tpu.memory_space<vmem>>
      %dma_wait3A_105 = tpu.memref_squeeze %dma_wait3A_104 : memref<1x128xi32, #tpu.memory_space<vmem>> -> memref<128xi32, #tpu.memory_space<vmem>>
      %dma_wait3A_106 = arith.constant 0 : i32
      %dma_wait3A_107 = arith.constant 0 : i32
      %dma_wait3A_108 = tpu.memref_slice %arg2[%dma_wait3A_106, %dma_wait3A_107] : memref<10240x128xf32, #tpu.memory_space<hbm>> -> memref<10240x128xf32, #tpu.memory_space<hbm>>
      tpu.wait_indirect_dma semaphore(%arg14 : memref<!tpu.dma_semaphore, #tpu.memory_space<semaphore_mem>>) src(%dma_wait3A_108 : memref<10240x128xf32, #tpu.memory_space<hbm>>) dst(%arg10 : memref<128x128xf32, #tpu.memory_space<vmem>>)
      "tpu.region"() ({
        %run_scoped3A = tpu.sem_alloc : memref<!tpu.dma_semaphore, #tpu.memory_space<semaphore_mem>>
        %dma_start3A_114 = arith.constant 0 : i32
        %dma_start3A_115 = tpu.memref_slice %arg8[%add3A_102, %dma_start3A_114] : memref<40x128xi32, #tpu.memory_space<vmem>> -> memref<1x128xi32, #tpu.memory_space<vmem>>
        %dma_start3A_116 = tpu.memref_squeeze %dma_start3A_115 : memref<1x128xi32, #tpu.memory_space<vmem>> -> memref<128xi32, #tpu.memory_space<vmem>>
        %dma_start3A_117 = arith.constant 0 : i32
        %dma_start3A_118 = arith.constant 0 : i32
        %dma_start3A_119 = tpu.memref_slice %arg11[%dma_start3A_117, %dma_start3A_118] : memref<10240x128xf32, #tpu.memory_space<vmem_shared>> -> memref<10240x128xf32, #tpu.memory_space<vmem_shared>>
        tpu.enqueue_indirect_dma source(%arg10 : memref<128x128xf32, #tpu.memory_space<vmem>>) target(%dma_start3A_119 : memref<10240x128xf32, #tpu.memory_space<vmem_shared>>) offsets(%dma_start3A_116 : memref<128xi32, #tpu.memory_space<vmem>>) semaphore(%run_scoped3A : memref<!tpu.dma_semaphore, #tpu.memory_space<semaphore_mem>>) {add = true}
        %dma_wait3A_120 = arith.constant 0 : i32
        %dma_wait3A_121 = tpu.memref_slice %arg8[%add3A_102, %dma_wait3A_120] : memref<40x128xi32, #tpu.memory_space<vmem>> -> memref<1x128xi32, #tpu.memory_space<vmem>>
        %dma_wait3A_122 = tpu.memref_squeeze %dma_wait3A_121 : memref<1x128xi32, #tpu.memory_space<vmem>> -> memref<128xi32, #tpu.memory_space<vmem>>
        %dma_wait3A_123 = arith.constant 0 : i32
        %dma_wait3A_124 = arith.constant 0 : i32
        %dma_wait3A_125 = tpu.memref_slice %arg11[%dma_wait3A_123, %dma_wait3A_124] : memref<10240x128xf32, #tpu.memory_space<vmem_shared>> -> memref<10240x128xf32, #tpu.memory_space<vmem_shared>>
        tpu.wait_indirect_dma semaphore(%run_scoped3A : memref<!tpu.dma_semaphore, #tpu.memory_space<semaphore_mem>>) src(%arg10 : memref<128x128xf32, #tpu.memory_space<vmem>>) dst(%dma_wait3A_125 : memref<10240x128xf32, #tpu.memory_space<vmem_shared>>)
        tpu.yield
      }) : () -> ()
      %lt3A_109 = arith.constant 19 : i32
      %lt3A_110 = arith.cmpi slt, %add3A_90, %lt3A_109 : i32
      %convert_element_type3A_111 = arith.extui %lt3A_110 : i1 to i32
      %cond3A_112 = arith.constant 0 : i32
      %cond3A_113 = arith.cmpi ne, %convert_element_type3A_111, %cond3A_112 : i32
      scf.if %cond3A_113 {
        %add3A_114 = arith.constant 2 : i32
        %add3A_115 = arith.addi %add3A_102, %add3A_114 : i32
        %dma_start3A_116 = arith.constant 0 : i32
        %dma_start3A_117 = tpu.memref_slice %arg7[%add3A_115, %dma_start3A_116] : memref<40x128xi32, #tpu.memory_space<vmem>> -> memref<1x128xi32, #tpu.memory_space<vmem>>
        %dma_start3A_118 = tpu.memref_squeeze %dma_start3A_117 : memref<1x128xi32, #tpu.memory_space<vmem>> -> memref<128xi32, #tpu.memory_space<vmem>>
        %dma_start3A_119 = arith.constant 0 : i32
        %dma_start3A_120 = arith.constant 0 : i32
        %dma_start3A_121 = tpu.memref_slice %arg2[%dma_start3A_119, %dma_start3A_120] : memref<10240x128xf32, #tpu.memory_space<hbm>> -> memref<10240x128xf32, #tpu.memory_space<hbm>>
        tpu.enqueue_indirect_dma source(%dma_start3A_121 : memref<10240x128xf32, #tpu.memory_space<hbm>>) target(%arg10 : memref<128x128xf32, #tpu.memory_space<vmem>>) offsets(%dma_start3A_118 : memref<128xi32, #tpu.memory_space<vmem>>) semaphore(%arg14 : memref<!tpu.dma_semaphore, #tpu.memory_space<semaphore_mem>>)
      } else {
      }
    }
    %scan3A_41 = arith.constant 20 : i32
    %mul3A_42 = arith.constant 80 : i32
    %mul3A_43 = arith.muli %add3A, %mul3A_42 : i32
    %add3A_44 = arith.constant 40 : i32
    %add3A_45 = arith.addi %mul3A_43, %add3A_44 : i32
    %dma_start3A_46 = arith.constant 0 : i32
    %dma_start3A_47 = tpu.memref_slice %arg3[%add3A_45, %dma_start3A_46] : memref<2560x128xi32, #tpu.memory_space<hbm>> -> memref<40x128xi32, #tpu.memory_space<hbm>>
    %dma_start3A_48 = arith.constant 0 : i32
    %dma_start3A_49 = tpu.memref_slice %arg3[%add3A_45, %dma_start3A_48] : memref<2560x128xi32, #tpu.memory_space<hbm>> -> memref<40x128xi32, #tpu.memory_space<hbm>>
    tpu.enqueue_dma source(%dma_start3A_49 : memref<40x128xi32, #tpu.memory_space<hbm>>) target(%arg7 : memref<40x128xi32, #tpu.memory_space<vmem>>) target_semaphore(%arg12 : memref<!tpu.dma_semaphore, #tpu.memory_space<semaphore_mem>>)
    %dma_start3A_50 = arith.constant 0 : i32
    %dma_start3A_51 = tpu.memref_slice %arg4[%add3A_45, %dma_start3A_50] : memref<2560x128xi32, #tpu.memory_space<hbm>> -> memref<40x128xi32, #tpu.memory_space<hbm>>
    %dma_start3A_52 = arith.constant 0 : i32
    %dma_start3A_53 = tpu.memref_slice %arg4[%add3A_45, %dma_start3A_52] : memref<2560x128xi32, #tpu.memory_space<hbm>> -> memref<40x128xi32, #tpu.memory_space<hbm>>
    tpu.enqueue_dma source(%dma_start3A_53 : memref<40x128xi32, #tpu.memory_space<hbm>>) target(%arg8 : memref<40x128xi32, #tpu.memory_space<vmem>>) target_semaphore(%arg12 : memref<!tpu.dma_semaphore, #tpu.memory_space<semaphore_mem>>)
    %dma_wait3A_54 = arith.constant 0 : i32
    %dma_wait3A_55 = tpu.memref_slice %arg3[%add3A_45, %dma_wait3A_54] : memref<2560x128xi32, #tpu.memory_space<hbm>> -> memref<40x128xi32, #tpu.memory_space<hbm>>
    %dma_wait3A_56 = arith.constant 0 : i32
    %dma_wait3A_57 = tpu.memref_slice %arg3[%add3A_45, %dma_wait3A_56] : memref<2560x128xi32, #tpu.memory_space<hbm>> -> memref<40x128xi32, #tpu.memory_space<hbm>>
    tpu.wait_dma2 semaphore(%arg12 : memref<!tpu.dma_semaphore, #tpu.memory_space<semaphore_mem>>) src(%dma_wait3A_57 : memref<40x128xi32, #tpu.memory_space<hbm>>) dst(%arg7 : memref<40x128xi32, #tpu.memory_space<vmem>>)
    %dma_wait3A_58 = arith.constant 0 : i32
    %dma_wait3A_59 = tpu.memref_slice %arg4[%add3A_45, %dma_wait3A_58] : memref<2560x128xi32, #tpu.memory_space<hbm>> -> memref<40x128xi32, #tpu.memory_space<hbm>>
    %dma_wait3A_60 = arith.constant 0 : i32
    %dma_wait3A_61 = tpu.memref_slice %arg4[%add3A_45, %dma_wait3A_60] : memref<2560x128xi32, #tpu.memory_space<hbm>> -> memref<40x128xi32, #tpu.memory_space<hbm>>
    tpu.wait_dma2 semaphore(%arg12 : memref<!tpu.dma_semaphore, #tpu.memory_space<semaphore_mem>>) src(%dma_wait3A_61 : memref<40x128xi32, #tpu.memory_space<hbm>>) dst(%arg8 : memref<40x128xi32, #tpu.memory_space<vmem>>)
    %dma_start3A_62 = arith.constant 0 : i32
    %dma_start3A_63 = arith.constant 0 : i32
    %dma_start3A_64 = tpu.memref_slice %arg7[%dma_start3A_62, %dma_start3A_63] : memref<40x128xi32, #tpu.memory_space<vmem>> -> memref<1x128xi32, #tpu.memory_space<vmem>>
    %dma_start3A_65 = tpu.memref_squeeze %dma_start3A_64 : memref<1x128xi32, #tpu.memory_space<vmem>> -> memref<128xi32, #tpu.memory_space<vmem>>
    %dma_start3A_66 = arith.constant 0 : i32
    %dma_start3A_67 = arith.constant 0 : i32
    %dma_start3A_68 = tpu.memref_slice %arg2[%dma_start3A_66, %dma_start3A_67] : memref<10240x128xf32, #tpu.memory_space<hbm>> -> memref<10240x128xf32, #tpu.memory_space<hbm>>
    tpu.enqueue_indirect_dma source(%dma_start3A_68 : memref<10240x128xf32, #tpu.memory_space<hbm>>) target(%arg9 : memref<128x128xf32, #tpu.memory_space<vmem>>) offsets(%dma_start3A_65 : memref<128xi32, #tpu.memory_space<vmem>>) semaphore(%arg13 : memref<!tpu.dma_semaphore, #tpu.memory_space<semaphore_mem>>)
    %dma_start3A_69 = arith.constant 1 : i32
    %dma_start3A_70 = arith.constant 0 : i32
    %dma_start3A_71 = tpu.memref_slice %arg7[%dma_start3A_69, %dma_start3A_70] : memref<40x128xi32, #tpu.memory_space<vmem>> -> memref<1x128xi32, #tpu.memory_space<vmem>>
    %dma_start3A_72 = tpu.memref_squeeze %dma_start3A_71 : memref<1x128xi32, #tpu.memory_space<vmem>> -> memref<128xi32, #tpu.memory_space<vmem>>
    %dma_start3A_73 = arith.constant 0 : i32
    %dma_start3A_74 = arith.constant 0 : i32
    %dma_start3A_75 = tpu.memref_slice %arg2[%dma_start3A_73, %dma_start3A_74] : memref<10240x128xf32, #tpu.memory_space<hbm>> -> memref<10240x128xf32, #tpu.memory_space<hbm>>
    tpu.enqueue_indirect_dma source(%dma_start3A_75 : memref<10240x128xf32, #tpu.memory_space<hbm>>) target(%arg10 : memref<128x128xf32, #tpu.memory_space<vmem>>) offsets(%dma_start3A_72 : memref<128xi32, #tpu.memory_space<vmem>>) semaphore(%arg14 : memref<!tpu.dma_semaphore, #tpu.memory_space<semaphore_mem>>)
    %scan3A_76 = arith.constant 0 : i32
    %scan3A_77 = arith.constant 20 : i32
    %scan3A_78 = arith.addi %scan3A_76, %scan3A_77 : i32
    %scan3A_79 = arith.constant 1 : i32
    scf.for %scan3A_86 = %scan3A_76 to %scan3A_78 step %scan3A_79  : i32 {
      %mul3A_87 = arith.constant 1 : i32
      %mul3A_88 = arith.muli %scan3A_86, %mul3A_87 : i32
      %add3A_89 = arith.constant 0 : i32
      %add3A_90 = arith.addi %add3A_89, %mul3A_88 : i32
      %mul3A_91 = arith.constant 2 : i32
      %mul3A_92 = arith.muli %mul3A_91, %add3A_90 : i32
      %dma_wait3A_93 = arith.constant 0 : i32
      %dma_wait3A_94 = tpu.memref_slice %arg7[%mul3A_92, %dma_wait3A_93] : memref<40x128xi32, #tpu.memory_space<vmem>> -> memref<1x128xi32, #tpu.memory_space<vmem>>
      %dma_wait3A_95 = tpu.memref_squeeze %dma_wait3A_94 : memref<1x128xi32, #tpu.memory_space<vmem>> -> memref<128xi32, #tpu.memory_space<vmem>>
      %dma_wait3A_96 = arith.constant 0 : i32
      %dma_wait3A_97 = arith.constant 0 : i32
      %dma_wait3A_98 = tpu.memref_slice %arg2[%dma_wait3A_96, %dma_wait3A_97] : memref<10240x128xf32, #tpu.memory_space<hbm>> -> memref<10240x128xf32, #tpu.memory_space<hbm>>
      tpu.wait_indirect_dma semaphore(%arg13 : memref<!tpu.dma_semaphore, #tpu.memory_space<semaphore_mem>>) src(%dma_wait3A_98 : memref<10240x128xf32, #tpu.memory_space<hbm>>) dst(%arg9 : memref<128x128xf32, #tpu.memory_space<vmem>>)
      "tpu.region"() ({
        %run_scoped3A = tpu.sem_alloc : memref<!tpu.dma_semaphore, #tpu.memory_space<semaphore_mem>>
        %dma_start3A_114 = arith.constant 0 : i32
        %dma_start3A_115 = tpu.memref_slice %arg8[%mul3A_92, %dma_start3A_114] : memref<40x128xi32, #tpu.memory_space<vmem>> -> memref<1x128xi32, #tpu.memory_space<vmem>>
        %dma_start3A_116 = tpu.memref_squeeze %dma_start3A_115 : memref<1x128xi32, #tpu.memory_space<vmem>> -> memref<128xi32, #tpu.memory_space<vmem>>
        %dma_start3A_117 = arith.constant 0 : i32
        %dma_start3A_118 = arith.constant 0 : i32
        %dma_start3A_119 = tpu.memref_slice %arg11[%dma_start3A_117, %dma_start3A_118] : memref<10240x128xf32, #tpu.memory_space<vmem_shared>> -> memref<10240x128xf32, #tpu.memory_space<vmem_shared>>
        tpu.enqueue_indirect_dma source(%arg9 : memref<128x128xf32, #tpu.memory_space<vmem>>) target(%dma_start3A_119 : memref<10240x128xf32, #tpu.memory_space<vmem_shared>>) offsets(%dma_start3A_116 : memref<128xi32, #tpu.memory_space<vmem>>) semaphore(%run_scoped3A : memref<!tpu.dma_semaphore, #tpu.memory_space<semaphore_mem>>) {add = true}
        %dma_wait3A_120 = arith.constant 0 : i32
        %dma_wait3A_121 = tpu.memref_slice %arg8[%mul3A_92, %dma_wait3A_120] : memref<40x128xi32, #tpu.memory_space<vmem>> -> memref<1x128xi32, #tpu.memory_space<vmem>>
        %dma_wait3A_122 = tpu.memref_squeeze %dma_wait3A_121 : memref<1x128xi32, #tpu.memory_space<vmem>> -> memref<128xi32, #tpu.memory_space<vmem>>
        %dma_wait3A_123 = arith.constant 0 : i32
        %dma_wait3A_124 = arith.constant 0 : i32
        %dma_wait3A_125 = tpu.memref_slice %arg11[%dma_wait3A_123, %dma_wait3A_124] : memref<10240x128xf32, #tpu.memory_space<vmem_shared>> -> memref<10240x128xf32, #tpu.memory_space<vmem_shared>>
        tpu.wait_indirect_dma semaphore(%run_scoped3A : memref<!tpu.dma_semaphore, #tpu.memory_space<semaphore_mem>>) src(%arg9 : memref<128x128xf32, #tpu.memory_space<vmem>>) dst(%dma_wait3A_125 : memref<10240x128xf32, #tpu.memory_space<vmem_shared>>)
        tpu.yield
      }) : () -> ()
      %lt3A = arith.constant 19 : i32
      %lt3A_99 = arith.cmpi slt, %add3A_90, %lt3A : i32
      %convert_element_type3A = arith.extui %lt3A_99 : i1 to i32
      %cond3A = arith.constant 0 : i32
      %cond3A_100 = arith.cmpi ne, %convert_element_type3A, %cond3A : i32
      scf.if %cond3A_100 {
        %add3A_114 = arith.constant 2 : i32
        %add3A_115 = arith.addi %mul3A_92, %add3A_114 : i32
        %dma_start3A_116 = arith.constant 0 : i32
        %dma_start3A_117 = tpu.memref_slice %arg7[%add3A_115, %dma_start3A_116] : memref<40x128xi32, #tpu.memory_space<vmem>> -> memref<1x128xi32, #tpu.memory_space<vmem>>
        %dma_start3A_118 = tpu.memref_squeeze %dma_start3A_117 : memref<1x128xi32, #tpu.memory_space<vmem>> -> memref<128xi32, #tpu.memory_space<vmem>>
        %dma_start3A_119 = arith.constant 0 : i32
        %dma_start3A_120 = arith.constant 0 : i32
        %dma_start3A_121 = tpu.memref_slice %arg2[%dma_start3A_119, %dma_start3A_120] : memref<10240x128xf32, #tpu.memory_space<hbm>> -> memref<10240x128xf32, #tpu.memory_space<hbm>>
        tpu.enqueue_indirect_dma source(%dma_start3A_121 : memref<10240x128xf32, #tpu.memory_space<hbm>>) target(%arg9 : memref<128x128xf32, #tpu.memory_space<vmem>>) offsets(%dma_start3A_118 : memref<128xi32, #tpu.memory_space<vmem>>) semaphore(%arg13 : memref<!tpu.dma_semaphore, #tpu.memory_space<semaphore_mem>>)
      } else {
      }
      %add3A_101 = arith.constant 1 : i32
      %add3A_102 = arith.addi %mul3A_92, %add3A_101 : i32
      %dma_wait3A_103 = arith.constant 0 : i32
      %dma_wait3A_104 = tpu.memref_slice %arg7[%add3A_102, %dma_wait3A_103] : memref<40x128xi32, #tpu.memory_space<vmem>> -> memref<1x128xi32, #tpu.memory_space<vmem>>
      %dma_wait3A_105 = tpu.memref_squeeze %dma_wait3A_104 : memref<1x128xi32, #tpu.memory_space<vmem>> -> memref<128xi32, #tpu.memory_space<vmem>>
      %dma_wait3A_106 = arith.constant 0 : i32
      %dma_wait3A_107 = arith.constant 0 : i32
      %dma_wait3A_108 = tpu.memref_slice %arg2[%dma_wait3A_106, %dma_wait3A_107] : memref<10240x128xf32, #tpu.memory_space<hbm>> -> memref<10240x128xf32, #tpu.memory_space<hbm>>
      tpu.wait_indirect_dma semaphore(%arg14 : memref<!tpu.dma_semaphore, #tpu.memory_space<semaphore_mem>>) src(%dma_wait3A_108 : memref<10240x128xf32, #tpu.memory_space<hbm>>) dst(%arg10 : memref<128x128xf32, #tpu.memory_space<vmem>>)
      "tpu.region"() ({
        %run_scoped3A = tpu.sem_alloc : memref<!tpu.dma_semaphore, #tpu.memory_space<semaphore_mem>>
        %dma_start3A_114 = arith.constant 0 : i32
        %dma_start3A_115 = tpu.memref_slice %arg8[%add3A_102, %dma_start3A_114] : memref<40x128xi32, #tpu.memory_space<vmem>> -> memref<1x128xi32, #tpu.memory_space<vmem>>
        %dma_start3A_116 = tpu.memref_squeeze %dma_start3A_115 : memref<1x128xi32, #tpu.memory_space<vmem>> -> memref<128xi32, #tpu.memory_space<vmem>>
        %dma_start3A_117 = arith.constant 0 : i32
        %dma_start3A_118 = arith.constant 0 : i32
        %dma_start3A_119 = tpu.memref_slice %arg11[%dma_start3A_117, %dma_start3A_118] : memref<10240x128xf32, #tpu.memory_space<vmem_shared>> -> memref<10240x128xf32, #tpu.memory_space<vmem_shared>>
        tpu.enqueue_indirect_dma source(%arg10 : memref<128x128xf32, #tpu.memory_space<vmem>>) target(%dma_start3A_119 : memref<10240x128xf32, #tpu.memory_space<vmem_shared>>) offsets(%dma_start3A_116 : memref<128xi32, #tpu.memory_space<vmem>>) semaphore(%run_scoped3A : memref<!tpu.dma_semaphore, #tpu.memory_space<semaphore_mem>>) {add = true}
        %dma_wait3A_120 = arith.constant 0 : i32
        %dma_wait3A_121 = tpu.memref_slice %arg8[%add3A_102, %dma_wait3A_120] : memref<40x128xi32, #tpu.memory_space<vmem>> -> memref<1x128xi32, #tpu.memory_space<vmem>>
        %dma_wait3A_122 = tpu.memref_squeeze %dma_wait3A_121 : memref<1x128xi32, #tpu.memory_space<vmem>> -> memref<128xi32, #tpu.memory_space<vmem>>
        %dma_wait3A_123 = arith.constant 0 : i32
        %dma_wait3A_124 = arith.constant 0 : i32
        %dma_wait3A_125 = tpu.memref_slice %arg11[%dma_wait3A_123, %dma_wait3A_124] : memref<10240x128xf32, #tpu.memory_space<vmem_shared>> -> memref<10240x128xf32, #tpu.memory_space<vmem_shared>>
        tpu.wait_indirect_dma semaphore(%run_scoped3A : memref<!tpu.dma_semaphore, #tpu.memory_space<semaphore_mem>>) src(%arg10 : memref<128x128xf32, #tpu.memory_space<vmem>>) dst(%dma_wait3A_125 : memref<10240x128xf32, #tpu.memory_space<vmem_shared>>)
        tpu.yield
      }) : () -> ()
      %lt3A_109 = arith.constant 19 : i32
      %lt3A_110 = arith.cmpi slt, %add3A_90, %lt3A_109 : i32
      %convert_element_type3A_111 = arith.extui %lt3A_110 : i1 to i32
      %cond3A_112 = arith.constant 0 : i32
      %cond3A_113 = arith.cmpi ne, %convert_element_type3A_111, %cond3A_112 : i32
      scf.if %cond3A_113 {
        %add3A_114 = arith.constant 2 : i32
        %add3A_115 = arith.addi %add3A_102, %add3A_114 : i32
        %dma_start3A_116 = arith.constant 0 : i32
        %dma_start3A_117 = tpu.memref_slice %arg7[%add3A_115, %dma_start3A_116] : memref<40x128xi32, #tpu.memory_space<vmem>> -> memref<1x128xi32, #tpu.memory_space<vmem>>
        %dma_start3A_118 = tpu.memref_squeeze %dma_start3A_117 : memref<1x128xi32, #tpu.memory_space<vmem>> -> memref<128xi32, #tpu.memory_space<vmem>>
        %dma_start3A_119 = arith.constant 0 : i32
        %dma_start3A_120 = arith.constant 0 : i32
        %dma_start3A_121 = tpu.memref_slice %arg2[%dma_start3A_119, %dma_start3A_120] : memref<10240x128xf32, #tpu.memory_space<hbm>> -> memref<10240x128xf32, #tpu.memory_space<hbm>>
        tpu.enqueue_indirect_dma source(%dma_start3A_121 : memref<10240x128xf32, #tpu.memory_space<hbm>>) target(%arg10 : memref<128x128xf32, #tpu.memory_space<vmem>>) offsets(%dma_start3A_118 : memref<128xi32, #tpu.memory_space<vmem>>) semaphore(%arg14 : memref<!tpu.dma_semaphore, #tpu.memory_space<semaphore_mem>>)
      } else {
      }
    }
    %scan3A_80 = arith.constant 20 : i32
    %barrier3A_81 = arith.constant 0 : index
    tpu.barrier barrier_id(%barrier3A_81)
    %mul3A_82 = arith.constant 640 : i32
    %mul3A_83 = arith.muli %arg1, %mul3A_82 : i32
    %mul3A_84 = arith.constant 640 : i32
    %mul3A_85 = arith.muli %arg1, %mul3A_84 : i32
    "tpu.region"() ({
      %run_scoped3A = tpu.sem_alloc : memref<!tpu.dma_semaphore, #tpu.memory_space<semaphore_mem>>
      %dma_start3A_86 = arith.constant 0 : i32
      %dma_start3A_87 = tpu.memref_slice %arg6[%arg0, %mul3A_85, %dma_start3A_86] : memref<2x10240x128xf32, #tpu.memory_space<hbm>> -> memref<1x640x128xf32, #tpu.memory_space<hbm>>
      %dma_start3A_88 = tpu.memref_squeeze %dma_start3A_87 : memref<1x640x128xf32, #tpu.memory_space<hbm>> -> memref<640x128xf32, #tpu.memory_space<hbm>>
      %dma_start3A_89 = arith.constant 0 : i32
      %dma_start3A_90 = tpu.memref_slice %arg11[%mul3A_83, %dma_start3A_89] : memref<10240x128xf32, #tpu.memory_space<vmem_shared>> -> memref<640x128xf32, #tpu.memory_space<vmem_shared>>
      tpu.enqueue_dma source(%dma_start3A_90 : memref<640x128xf32, #tpu.memory_space<vmem_shared>>) target(%dma_start3A_88 : memref<640x128xf32, #tpu.memory_space<hbm>>) target_semaphore(%run_scoped3A : memref<!tpu.dma_semaphore, #tpu.memory_space<semaphore_mem>>)
      %dma_wait3A_91 = arith.constant 0 : i32
      %dma_wait3A_92 = tpu.memref_slice %arg6[%arg0, %mul3A_85, %dma_wait3A_91] : memref<2x10240x128xf32, #tpu.memory_space<hbm>> -> memref<1x640x128xf32, #tpu.memory_space<hbm>>
      %dma_wait3A_93 = tpu.memref_squeeze %dma_wait3A_92 : memref<1x640x128xf32, #tpu.memory_space<hbm>> -> memref<640x128xf32, #tpu.memory_space<hbm>>
      %dma_wait3A_94 = arith.constant 0 : i32
      %dma_wait3A_95 = tpu.memref_slice %arg11[%mul3A_83, %dma_wait3A_94] : memref<10240x128xf32, #tpu.memory_space<vmem_shared>> -> memref<640x128xf32, #tpu.memory_space<vmem_shared>>
      tpu.wait_dma2 semaphore(%run_scoped3A : memref<!tpu.dma_semaphore, #tpu.memory_space<semaphore_mem>>) src(%dma_wait3A_95 : memref<640x128xf32, #tpu.memory_space<vmem_shared>>) dst(%dma_wait3A_93 : memref<640x128xf32, #tpu.memory_space<hbm>>)
      tpu.yield
    }) : () -> ()
    return
  }
}

#map = affine_map<(d0, d1) -> (0, 0)>
#map1 = affine_map<(d0, d1) -> (0, 0, 0)>
module attributes {stable_mosaic.version = 14 : i64} {
  func.func @agg_kernel(%arg0: i32, %arg1: i32, %arg2: memref<10240x128xf32, #tpu.memory_space<hbm>>, %arg3: memref<2560x128xi32, #tpu.memory_space<hbm>>, %arg4: memref<2560x128xi32, #tpu.memory_space<hbm>>, %arg5: memref<128x128xf32, #tpu.memory_space<hbm>>, %arg6: memref<2x10240x128xf32, #tpu.memory_space<hbm>>, %arg7: memref<40x128xi32, #tpu.memory_space<vmem>>, %arg8: memref<40x128xi32, #tpu.memory_space<vmem>>, %arg9: memref<128x128xf32, #tpu.memory_space<vmem>>, %arg10: memref<128x128xf32, #tpu.memory_space<vmem>>, %arg11: memref<10240x128xf32, #tpu.memory_space<vmem_shared>>, %arg12: memref<!tpu.dma_semaphore, #tpu.memory_space<semaphore_mem>>, %arg13: memref<!tpu.dma_semaphore, #tpu.memory_space<semaphore_mem>>, %arg14: memref<!tpu.dma_semaphore, #tpu.memory_space<semaphore_mem>>, %arg15: memref<!tpu.dma_semaphore, #tpu.memory_space<semaphore_mem>>, %arg16: memref<!tpu.dma_semaphore, #tpu.memory_space<semaphore_mem>>) attributes {dimension_semantics = [#tpu.dimension_semantics<core_parallel>, #tpu.dimension_semantics<subcore_parallel>], iteration_bounds = array<i64: 2, 16>, scalar_prefetch = 0 : i64, scratch_operands = 10 : i64, tpu.core_type = #tpu.core_type<sc_vector_subcore>, window_params = [{transform_indices = #map}, {transform_indices = #map}, {transform_indices = #map}, {transform_indices = #map}, {transform_indices = #map1}]} {
    %mul3A = arith.constant 16 : i32
    %mul3A_0 = arith.muli %arg0, %mul3A : i32
    %add3A = arith.addi %mul3A_0, %arg1 : i32
    %mul3A_1 = arith.constant 80 : i32
    %mul3A_2 = arith.muli %add3A, %mul3A_1 : i32
    %add3A_3 = arith.constant 0 : i32
    %add3A_4 = arith.addi %mul3A_2, %add3A_3 : i32
    %dma_start3A = arith.constant 0 : i32
    %dma_start3A_5 = tpu.memref_slice %arg3[%add3A_4, %dma_start3A] : memref<2560x128xi32, #tpu.memory_space<hbm>> -> memref<40x128xi32, #tpu.memory_space<hbm>>
    %dma_start3A_6 = arith.constant 0 : i32
    %dma_start3A_7 = tpu.memref_slice %arg3[%add3A_4, %dma_start3A_6] : memref<2560x128xi32, #tpu.memory_space<hbm>> -> memref<40x128xi32, #tpu.memory_space<hbm>>
    tpu.enqueue_dma source(%dma_start3A_7 : memref<40x128xi32, #tpu.memory_space<hbm>>) target(%arg7 : memref<40x128xi32, #tpu.memory_space<vmem>>) target_semaphore(%arg12 : memref<!tpu.dma_semaphore, #tpu.memory_space<semaphore_mem>>)
    %dma_start3A_8 = arith.constant 0 : i32
    %dma_start3A_9 = tpu.memref_slice %arg4[%add3A_4, %dma_start3A_8] : memref<2560x128xi32, #tpu.memory_space<hbm>> -> memref<40x128xi32, #tpu.memory_space<hbm>>
    %dma_start3A_10 = arith.constant 0 : i32
    %dma_start3A_11 = tpu.memref_slice %arg4[%add3A_4, %dma_start3A_10] : memref<2560x128xi32, #tpu.memory_space<hbm>> -> memref<40x128xi32, #tpu.memory_space<hbm>>
    tpu.enqueue_dma source(%dma_start3A_11 : memref<40x128xi32, #tpu.memory_space<hbm>>) target(%arg8 : memref<40x128xi32, #tpu.memory_space<vmem>>) target_semaphore(%arg12 : memref<!tpu.dma_semaphore, #tpu.memory_space<semaphore_mem>>)
    %scan3A = arith.constant 0 : i32
    %scan3A_12 = arith.constant 5 : i32
    %scan3A_13 = arith.addi %scan3A, %scan3A_12 : i32
    %scan3A_14 = arith.constant 1 : i32
    scf.for %scan3A_86 = %scan3A to %scan3A_13 step %scan3A_14  : i32 {
      %mul3A_87 = arith.constant 128 : i32
      %mul3A_88 = arith.muli %scan3A_86, %mul3A_87 : i32
      %add3A_89 = arith.constant 0 : i32
      %add3A_90 = arith.addi %add3A_89, %mul3A_88 : i32
      %mul3A_91 = arith.constant 640 : i32
      %mul3A_92 = arith.muli %arg1, %mul3A_91 : i32
      %add3A_93 = arith.addi %mul3A_92, %add3A_90 : i32
      "tpu.region"() ({
        %run_scoped3A = tpu.sem_alloc : memref<!tpu.dma_semaphore, #tpu.memory_space<semaphore_mem>>
        %dma_start3A_94 = arith.constant 0 : i32
        %dma_start3A_95 = tpu.memref_slice %arg11[%add3A_93, %dma_start3A_94] : memref<10240x128xf32, #tpu.memory_space<vmem_shared>> -> memref<128x128xf32, #tpu.memory_space<vmem_shared>>
        tpu.enqueue_dma source(%arg5 : memref<128x128xf32, #tpu.memory_space<hbm>>) target(%dma_start3A_95 : memref<128x128xf32, #tpu.memory_space<vmem_shared>>) target_semaphore(%run_scoped3A : memref<!tpu.dma_semaphore, #tpu.memory_space<semaphore_mem>>)
        %dma_wait3A_96 = arith.constant 0 : i32
        %dma_wait3A_97 = tpu.memref_slice %arg11[%add3A_93, %dma_wait3A_96] : memref<10240x128xf32, #tpu.memory_space<vmem_shared>> -> memref<128x128xf32, #tpu.memory_space<vmem_shared>>
        tpu.wait_dma2 semaphore(%run_scoped3A : memref<!tpu.dma_semaphore, #tpu.memory_space<semaphore_mem>>) src(%arg5 : memref<128x128xf32, #tpu.memory_space<hbm>>) dst(%dma_wait3A_97 : memref<128x128xf32, #tpu.memory_space<vmem_shared>>)
        tpu.yield
      }) : () -> ()
    }
    %scan3A_15 = arith.constant 5 : i32
    %dma_wait3A = arith.constant 0 : i32
    %dma_wait3A_16 = tpu.memref_slice %arg3[%add3A_4, %dma_wait3A] : memref<2560x128xi32, #tpu.memory_space<hbm>> -> memref<40x128xi32, #tpu.memory_space<hbm>>
    %dma_wait3A_17 = arith.constant 0 : i32
    %dma_wait3A_18 = tpu.memref_slice %arg3[%add3A_4, %dma_wait3A_17] : memref<2560x128xi32, #tpu.memory_space<hbm>> -> memref<40x128xi32, #tpu.memory_space<hbm>>
    tpu.wait_dma2 semaphore(%arg12 : memref<!tpu.dma_semaphore, #tpu.memory_space<semaphore_mem>>) src(%dma_wait3A_18 : memref<40x128xi32, #tpu.memory_space<hbm>>) dst(%arg7 : memref<40x128xi32, #tpu.memory_space<vmem>>)
    %dma_wait3A_19 = arith.constant 0 : i32
    %dma_wait3A_20 = tpu.memref_slice %arg4[%add3A_4, %dma_wait3A_19] : memref<2560x128xi32, #tpu.memory_space<hbm>> -> memref<40x128xi32, #tpu.memory_space<hbm>>
    %dma_wait3A_21 = arith.constant 0 : i32
    %dma_wait3A_22 = tpu.memref_slice %arg4[%add3A_4, %dma_wait3A_21] : memref<2560x128xi32, #tpu.memory_space<hbm>> -> memref<40x128xi32, #tpu.memory_space<hbm>>
    tpu.wait_dma2 semaphore(%arg12 : memref<!tpu.dma_semaphore, #tpu.memory_space<semaphore_mem>>) src(%dma_wait3A_22 : memref<40x128xi32, #tpu.memory_space<hbm>>) dst(%arg8 : memref<40x128xi32, #tpu.memory_space<vmem>>)
    %dma_start3A_23 = arith.constant 0 : i32
    %dma_start3A_24 = arith.constant 0 : i32
    %dma_start3A_25 = tpu.memref_slice %arg7[%dma_start3A_23, %dma_start3A_24] : memref<40x128xi32, #tpu.memory_space<vmem>> -> memref<1x128xi32, #tpu.memory_space<vmem>>
    %dma_start3A_26 = tpu.memref_squeeze %dma_start3A_25 : memref<1x128xi32, #tpu.memory_space<vmem>> -> memref<128xi32, #tpu.memory_space<vmem>>
    %dma_start3A_27 = arith.constant 0 : i32
    %dma_start3A_28 = arith.constant 0 : i32
    %dma_start3A_29 = tpu.memref_slice %arg2[%dma_start3A_27, %dma_start3A_28] : memref<10240x128xf32, #tpu.memory_space<hbm>> -> memref<10240x128xf32, #tpu.memory_space<hbm>>
    tpu.enqueue_indirect_dma source(%dma_start3A_29 : memref<10240x128xf32, #tpu.memory_space<hbm>>) target(%arg9 : memref<128x128xf32, #tpu.memory_space<vmem>>) offsets(%dma_start3A_26 : memref<128xi32, #tpu.memory_space<vmem>>) semaphore(%arg13 : memref<!tpu.dma_semaphore, #tpu.memory_space<semaphore_mem>>)
    %dma_start3A_30 = arith.constant 1 : i32
    %dma_start3A_31 = arith.constant 0 : i32
    %dma_start3A_32 = tpu.memref_slice %arg7[%dma_start3A_30, %dma_start3A_31] : memref<40x128xi32, #tpu.memory_space<vmem>> -> memref<1x128xi32, #tpu.memory_space<vmem>>
    %dma_start3A_33 = tpu.memref_squeeze %dma_start3A_32 : memref<1x128xi32, #tpu.memory_space<vmem>> -> memref<128xi32, #tpu.memory_space<vmem>>
    %dma_start3A_34 = arith.constant 0 : i32
    %dma_start3A_35 = arith.constant 0 : i32
    %dma_start3A_36 = tpu.memref_slice %arg2[%dma_start3A_34, %dma_start3A_35] : memref<10240x128xf32, #tpu.memory_space<hbm>> -> memref<10240x128xf32, #tpu.memory_space<hbm>>
    tpu.enqueue_indirect_dma source(%dma_start3A_36 : memref<10240x128xf32, #tpu.memory_space<hbm>>) target(%arg10 : memref<128x128xf32, #tpu.memory_space<vmem>>) offsets(%dma_start3A_33 : memref<128xi32, #tpu.memory_space<vmem>>) semaphore(%arg14 : memref<!tpu.dma_semaphore, #tpu.memory_space<semaphore_mem>>)
    %barrier3A = arith.constant 0 : index
    tpu.barrier barrier_id(%barrier3A)
    %scan3A_37 = arith.constant 0 : i32
    %scan3A_38 = arith.constant 20 : i32
    %scan3A_39 = arith.addi %scan3A_37, %scan3A_38 : i32
    %scan3A_40 = arith.constant 1 : i32
    scf.for %scan3A_86 = %scan3A_37 to %scan3A_39 step %scan3A_40  : i32 {
      %mul3A_87 = arith.constant 1 : i32
      %mul3A_88 = arith.muli %scan3A_86, %mul3A_87 : i32
      %add3A_89 = arith.constant 0 : i32
      %add3A_90 = arith.addi %add3A_89, %mul3A_88 : i32
      %mul3A_91 = arith.constant 2 : i32
      %mul3A_92 = arith.muli %mul3A_91, %add3A_90 : i32
      %dma_wait3A_93 = arith.constant 0 : i32
      %dma_wait3A_94 = tpu.memref_slice %arg7[%mul3A_92, %dma_wait3A_93] : memref<40x128xi32, #tpu.memory_space<vmem>> -> memref<1x128xi32, #tpu.memory_space<vmem>>
      %dma_wait3A_95 = tpu.memref_squeeze %dma_wait3A_94 : memref<1x128xi32, #tpu.memory_space<vmem>> -> memref<128xi32, #tpu.memory_space<vmem>>
      %dma_wait3A_96 = arith.constant 0 : i32
      %dma_wait3A_97 = arith.constant 0 : i32
      %dma_wait3A_98 = tpu.memref_slice %arg2[%dma_wait3A_96, %dma_wait3A_97] : memref<10240x128xf32, #tpu.memory_space<hbm>> -> memref<10240x128xf32, #tpu.memory_space<hbm>>
      tpu.wait_indirect_dma semaphore(%arg13 : memref<!tpu.dma_semaphore, #tpu.memory_space<semaphore_mem>>) src(%dma_wait3A_98 : memref<10240x128xf32, #tpu.memory_space<hbm>>) dst(%arg9 : memref<128x128xf32, #tpu.memory_space<vmem>>)
      "tpu.region"() ({
        %run_scoped3A = tpu.sem_alloc : memref<!tpu.dma_semaphore, #tpu.memory_space<semaphore_mem>>
        %dma_start3A_114 = arith.constant 0 : i32
        %dma_start3A_115 = tpu.memref_slice %arg8[%mul3A_92, %dma_start3A_114] : memref<40x128xi32, #tpu.memory_space<vmem>> -> memref<1x128xi32, #tpu.memory_space<vmem>>
        %dma_start3A_116 = tpu.memref_squeeze %dma_start3A_115 : memref<1x128xi32, #tpu.memory_space<vmem>> -> memref<128xi32, #tpu.memory_space<vmem>>
        %dma_start3A_117 = arith.constant 0 : i32
        %dma_start3A_118 = arith.constant 0 : i32
        %dma_start3A_119 = tpu.memref_slice %arg11[%dma_start3A_117, %dma_start3A_118] : memref<10240x128xf32, #tpu.memory_space<vmem_shared>> -> memref<10240x128xf32, #tpu.memory_space<vmem_shared>>
        tpu.enqueue_indirect_dma source(%arg9 : memref<128x128xf32, #tpu.memory_space<vmem>>) target(%dma_start3A_119 : memref<10240x128xf32, #tpu.memory_space<vmem_shared>>) offsets(%dma_start3A_116 : memref<128xi32, #tpu.memory_space<vmem>>) semaphore(%run_scoped3A : memref<!tpu.dma_semaphore, #tpu.memory_space<semaphore_mem>>) {add = true}
        %dma_wait3A_120 = arith.constant 0 : i32
        %dma_wait3A_121 = tpu.memref_slice %arg8[%mul3A_92, %dma_wait3A_120] : memref<40x128xi32, #tpu.memory_space<vmem>> -> memref<1x128xi32, #tpu.memory_space<vmem>>
        %dma_wait3A_122 = tpu.memref_squeeze %dma_wait3A_121 : memref<1x128xi32, #tpu.memory_space<vmem>> -> memref<128xi32, #tpu.memory_space<vmem>>
        %dma_wait3A_123 = arith.constant 0 : i32
        %dma_wait3A_124 = arith.constant 0 : i32
        %dma_wait3A_125 = tpu.memref_slice %arg11[%dma_wait3A_123, %dma_wait3A_124] : memref<10240x128xf32, #tpu.memory_space<vmem_shared>> -> memref<10240x128xf32, #tpu.memory_space<vmem_shared>>
        tpu.wait_indirect_dma semaphore(%run_scoped3A : memref<!tpu.dma_semaphore, #tpu.memory_space<semaphore_mem>>) src(%arg9 : memref<128x128xf32, #tpu.memory_space<vmem>>) dst(%dma_wait3A_125 : memref<10240x128xf32, #tpu.memory_space<vmem_shared>>)
        tpu.yield
      }) : () -> ()
      %lt3A = arith.constant 19 : i32
      %lt3A_99 = arith.cmpi slt, %add3A_90, %lt3A : i32
      %convert_element_type3A = arith.extui %lt3A_99 : i1 to i32
      %cond3A = arith.constant 0 : i32
      %cond3A_100 = arith.cmpi ne, %convert_element_type3A, %cond3A : i32
      scf.if %cond3A_100 {
        %add3A_114 = arith.constant 2 : i32
        %add3A_115 = arith.addi %mul3A_92, %add3A_114 : i32
        %dma_start3A_116 = arith.constant 0 : i32
        %dma_start3A_117 = tpu.memref_slice %arg7[%add3A_115, %dma_start3A_116] : memref<40x128xi32, #tpu.memory_space<vmem>> -> memref<1x128xi32, #tpu.memory_space<vmem>>
        %dma_start3A_118 = tpu.memref_squeeze %dma_start3A_117 : memref<1x128xi32, #tpu.memory_space<vmem>> -> memref<128xi32, #tpu.memory_space<vmem>>
        %dma_start3A_119 = arith.constant 0 : i32
        %dma_start3A_120 = arith.constant 0 : i32
        %dma_start3A_121 = tpu.memref_slice %arg2[%dma_start3A_119, %dma_start3A_120] : memref<10240x128xf32, #tpu.memory_space<hbm>> -> memref<10240x128xf32, #tpu.memory_space<hbm>>
        tpu.enqueue_indirect_dma source(%dma_start3A_121 : memref<10240x128xf32, #tpu.memory_space<hbm>>) target(%arg9 : memref<128x128xf32, #tpu.memory_space<vmem>>) offsets(%dma_start3A_118 : memref<128xi32, #tpu.memory_space<vmem>>) semaphore(%arg13 : memref<!tpu.dma_semaphore, #tpu.memory_space<semaphore_mem>>)
      } else {
      }
      %add3A_101 = arith.constant 1 : i32
      %add3A_102 = arith.addi %mul3A_92, %add3A_101 : i32
      %dma_wait3A_103 = arith.constant 0 : i32
      %dma_wait3A_104 = tpu.memref_slice %arg7[%add3A_102, %dma_wait3A_103] : memref<40x128xi32, #tpu.memory_space<vmem>> -> memref<1x128xi32, #tpu.memory_space<vmem>>
      %dma_wait3A_105 = tpu.memref_squeeze %dma_wait3A_104 : memref<1x128xi32, #tpu.memory_space<vmem>> -> memref<128xi32, #tpu.memory_space<vmem>>
      %dma_wait3A_106 = arith.constant 0 : i32
      %dma_wait3A_107 = arith.constant 0 : i32
      %dma_wait3A_108 = tpu.memref_slice %arg2[%dma_wait3A_106, %dma_wait3A_107] : memref<10240x128xf32, #tpu.memory_space<hbm>> -> memref<10240x128xf32, #tpu.memory_space<hbm>>
      tpu.wait_indirect_dma semaphore(%arg14 : memref<!tpu.dma_semaphore, #tpu.memory_space<semaphore_mem>>) src(%dma_wait3A_108 : memref<10240x128xf32, #tpu.memory_space<hbm>>) dst(%arg10 : memref<128x128xf32, #tpu.memory_space<vmem>>)
      "tpu.region"() ({
        %run_scoped3A = tpu.sem_alloc : memref<!tpu.dma_semaphore, #tpu.memory_space<semaphore_mem>>
        %dma_start3A_114 = arith.constant 0 : i32
        %dma_start3A_115 = tpu.memref_slice %arg8[%add3A_102, %dma_start3A_114] : memref<40x128xi32, #tpu.memory_space<vmem>> -> memref<1x128xi32, #tpu.memory_space<vmem>>
        %dma_start3A_116 = tpu.memref_squeeze %dma_start3A_115 : memref<1x128xi32, #tpu.memory_space<vmem>> -> memref<128xi32, #tpu.memory_space<vmem>>
        %dma_start3A_117 = arith.constant 0 : i32
        %dma_start3A_118 = arith.constant 0 : i32
        %dma_start3A_119 = tpu.memref_slice %arg11[%dma_start3A_117, %dma_start3A_118] : memref<10240x128xf32, #tpu.memory_space<vmem_shared>> -> memref<10240x128xf32, #tpu.memory_space<vmem_shared>>
        tpu.enqueue_indirect_dma source(%arg10 : memref<128x128xf32, #tpu.memory_space<vmem>>) target(%dma_start3A_119 : memref<10240x128xf32, #tpu.memory_space<vmem_shared>>) offsets(%dma_start3A_116 : memref<128xi32, #tpu.memory_space<vmem>>) semaphore(%run_scoped3A : memref<!tpu.dma_semaphore, #tpu.memory_space<semaphore_mem>>) {add = true}
        %dma_wait3A_120 = arith.constant 0 : i32
        %dma_wait3A_121 = tpu.memref_slice %arg8[%add3A_102, %dma_wait3A_120] : memref<40x128xi32, #tpu.memory_space<vmem>> -> memref<1x128xi32, #tpu.memory_space<vmem>>
        %dma_wait3A_122 = tpu.memref_squeeze %dma_wait3A_121 : memref<1x128xi32, #tpu.memory_space<vmem>> -> memref<128xi32, #tpu.memory_space<vmem>>
        %dma_wait3A_123 = arith.constant 0 : i32
        %dma_wait3A_124 = arith.constant 0 : i32
        %dma_wait3A_125 = tpu.memref_slice %arg11[%dma_wait3A_123, %dma_wait3A_124] : memref<10240x128xf32, #tpu.memory_space<vmem_shared>> -> memref<10240x128xf32, #tpu.memory_space<vmem_shared>>
        tpu.wait_indirect_dma semaphore(%run_scoped3A : memref<!tpu.dma_semaphore, #tpu.memory_space<semaphore_mem>>) src(%arg10 : memref<128x128xf32, #tpu.memory_space<vmem>>) dst(%dma_wait3A_125 : memref<10240x128xf32, #tpu.memory_space<vmem_shared>>)
        tpu.yield
      }) : () -> ()
      %lt3A_109 = arith.constant 19 : i32
      %lt3A_110 = arith.cmpi slt, %add3A_90, %lt3A_109 : i32
      %convert_element_type3A_111 = arith.extui %lt3A_110 : i1 to i32
      %cond3A_112 = arith.constant 0 : i32
      %cond3A_113 = arith.cmpi ne, %convert_element_type3A_111, %cond3A_112 : i32
      scf.if %cond3A_113 {
        %add3A_114 = arith.constant 2 : i32
        %add3A_115 = arith.addi %add3A_102, %add3A_114 : i32
        %dma_start3A_116 = arith.constant 0 : i32
        %dma_start3A_117 = tpu.memref_slice %arg7[%add3A_115, %dma_start3A_116] : memref<40x128xi32, #tpu.memory_space<vmem>> -> memref<1x128xi32, #tpu.memory_space<vmem>>
        %dma_start3A_118 = tpu.memref_squeeze %dma_start3A_117 : memref<1x128xi32, #tpu.memory_space<vmem>> -> memref<128xi32, #tpu.memory_space<vmem>>
        %dma_start3A_119 = arith.constant 0 : i32
        %dma_start3A_120 = arith.constant 0 : i32
        %dma_start3A_121 = tpu.memref_slice %arg2[%dma_start3A_119, %dma_start3A_120] : memref<10240x128xf32, #tpu.memory_space<hbm>> -> memref<10240x128xf32, #tpu.memory_space<hbm>>
        tpu.enqueue_indirect_dma source(%dma_start3A_121 : memref<10240x128xf32, #tpu.memory_space<hbm>>) target(%arg10 : memref<128x128xf32, #tpu.memory_space<vmem>>) offsets(%dma_start3A_118 : memref<128xi32, #tpu.memory_space<vmem>>) semaphore(%arg14 : memref<!tpu.dma_semaphore, #tpu.memory_space<semaphore_mem>>)
      } else {
      }
    }
    %scan3A_41 = arith.constant 20 : i32
    %mul3A_42 = arith.constant 80 : i32
    %mul3A_43 = arith.muli %add3A, %mul3A_42 : i32
    %add3A_44 = arith.constant 40 : i32
    %add3A_45 = arith.addi %mul3A_43, %add3A_44 : i32
    %dma_start3A_46 = arith.constant 0 : i32
    %dma_start3A_47 = tpu.memref_slice %arg3[%add3A_45, %dma_start3A_46] : memref<2560x128xi32, #tpu.memory_space<hbm>> -> memref<40x128xi32, #tpu.memory_space<hbm>>
    %dma_start3A_48 = arith.constant 0 : i32
    %dma_start3A_49 = tpu.memref_slice %arg3[%add3A_45, %dma_start3A_48] : memref<2560x128xi32, #tpu.memory_space<hbm>> -> memref<40x128xi32, #tpu.memory_space<hbm>>
    tpu.enqueue_dma source(%dma_start3A_49 : memref<40x128xi32, #tpu.memory_space<hbm>>) target(%arg7 : memref<40x128xi32, #tpu.memory_space<vmem>>) target_semaphore(%arg12 : memref<!tpu.dma_semaphore, #tpu.memory_space<semaphore_mem>>)
    %dma_start3A_50 = arith.constant 0 : i32
    %dma_start3A_51 = tpu.memref_slice %arg4[%add3A_45, %dma_start3A_50] : memref<2560x128xi32, #tpu.memory_space<hbm>> -> memref<40x128xi32, #tpu.memory_space<hbm>>
    %dma_start3A_52 = arith.constant 0 : i32
    %dma_start3A_53 = tpu.memref_slice %arg4[%add3A_45, %dma_start3A_52] : memref<2560x128xi32, #tpu.memory_space<hbm>> -> memref<40x128xi32, #tpu.memory_space<hbm>>
    tpu.enqueue_dma source(%dma_start3A_53 : memref<40x128xi32, #tpu.memory_space<hbm>>) target(%arg8 : memref<40x128xi32, #tpu.memory_space<vmem>>) target_semaphore(%arg12 : memref<!tpu.dma_semaphore, #tpu.memory_space<semaphore_mem>>)
    %dma_wait3A_54 = arith.constant 0 : i32
    %dma_wait3A_55 = tpu.memref_slice %arg3[%add3A_45, %dma_wait3A_54] : memref<2560x128xi32, #tpu.memory_space<hbm>> -> memref<40x128xi32, #tpu.memory_space<hbm>>
    %dma_wait3A_56 = arith.constant 0 : i32
    %dma_wait3A_57 = tpu.memref_slice %arg3[%add3A_45, %dma_wait3A_56] : memref<2560x128xi32, #tpu.memory_space<hbm>> -> memref<40x128xi32, #tpu.memory_space<hbm>>
    tpu.wait_dma2 semaphore(%arg12 : memref<!tpu.dma_semaphore, #tpu.memory_space<semaphore_mem>>) src(%dma_wait3A_57 : memref<40x128xi32, #tpu.memory_space<hbm>>) dst(%arg7 : memref<40x128xi32, #tpu.memory_space<vmem>>)
    %dma_wait3A_58 = arith.constant 0 : i32
    %dma_wait3A_59 = tpu.memref_slice %arg4[%add3A_45, %dma_wait3A_58] : memref<2560x128xi32, #tpu.memory_space<hbm>> -> memref<40x128xi32, #tpu.memory_space<hbm>>
    %dma_wait3A_60 = arith.constant 0 : i32
    %dma_wait3A_61 = tpu.memref_slice %arg4[%add3A_45, %dma_wait3A_60] : memref<2560x128xi32, #tpu.memory_space<hbm>> -> memref<40x128xi32, #tpu.memory_space<hbm>>
    tpu.wait_dma2 semaphore(%arg12 : memref<!tpu.dma_semaphore, #tpu.memory_space<semaphore_mem>>) src(%dma_wait3A_61 : memref<40x128xi32, #tpu.memory_space<hbm>>) dst(%arg8 : memref<40x128xi32, #tpu.memory_space<vmem>>)
    %dma_start3A_62 = arith.constant 0 : i32
    %dma_start3A_63 = arith.constant 0 : i32
    %dma_start3A_64 = tpu.memref_slice %arg7[%dma_start3A_62, %dma_start3A_63] : memref<40x128xi32, #tpu.memory_space<vmem>> -> memref<1x128xi32, #tpu.memory_space<vmem>>
    %dma_start3A_65 = tpu.memref_squeeze %dma_start3A_64 : memref<1x128xi32, #tpu.memory_space<vmem>> -> memref<128xi32, #tpu.memory_space<vmem>>
    %dma_start3A_66 = arith.constant 0 : i32
    %dma_start3A_67 = arith.constant 0 : i32
    %dma_start3A_68 = tpu.memref_slice %arg2[%dma_start3A_66, %dma_start3A_67] : memref<10240x128xf32, #tpu.memory_space<hbm>> -> memref<10240x128xf32, #tpu.memory_space<hbm>>
    tpu.enqueue_indirect_dma source(%dma_start3A_68 : memref<10240x128xf32, #tpu.memory_space<hbm>>) target(%arg9 : memref<128x128xf32, #tpu.memory_space<vmem>>) offsets(%dma_start3A_65 : memref<128xi32, #tpu.memory_space<vmem>>) semaphore(%arg13 : memref<!tpu.dma_semaphore, #tpu.memory_space<semaphore_mem>>)
    %dma_start3A_69 = arith.constant 1 : i32
    %dma_start3A_70 = arith.constant 0 : i32
    %dma_start3A_71 = tpu.memref_slice %arg7[%dma_start3A_69, %dma_start3A_70] : memref<40x128xi32, #tpu.memory_space<vmem>> -> memref<1x128xi32, #tpu.memory_space<vmem>>
    %dma_start3A_72 = tpu.memref_squeeze %dma_start3A_71 : memref<1x128xi32, #tpu.memory_space<vmem>> -> memref<128xi32, #tpu.memory_space<vmem>>
    %dma_start3A_73 = arith.constant 0 : i32
    %dma_start3A_74 = arith.constant 0 : i32
    %dma_start3A_75 = tpu.memref_slice %arg2[%dma_start3A_73, %dma_start3A_74] : memref<10240x128xf32, #tpu.memory_space<hbm>> -> memref<10240x128xf32, #tpu.memory_space<hbm>>
    tpu.enqueue_indirect_dma source(%dma_start3A_75 : memref<10240x128xf32, #tpu.memory_space<hbm>>) target(%arg10 : memref<128x128xf32, #tpu.memory_space<vmem>>) offsets(%dma_start3A_72 : memref<128xi32, #tpu.memory_space<vmem>>) semaphore(%arg14 : memref<!tpu.dma_semaphore, #tpu.memory_space<semaphore_mem>>)
    %scan3A_76 = arith.constant 0 : i32
    %scan3A_77 = arith.constant 20 : i32
    %scan3A_78 = arith.addi %scan3A_76, %scan3A_77 : i32
    %scan3A_79 = arith.constant 1 : i32
    scf.for %scan3A_86 = %scan3A_76 to %scan3A_78 step %scan3A_79  : i32 {
      %mul3A_87 = arith.constant 1 : i32
      %mul3A_88 = arith.muli %scan3A_86, %mul3A_87 : i32
      %add3A_89 = arith.constant 0 : i32
      %add3A_90 = arith.addi %add3A_89, %mul3A_88 : i32
      %mul3A_91 = arith.constant 2 : i32
      %mul3A_92 = arith.muli %mul3A_91, %add3A_90 : i32
      %dma_wait3A_93 = arith.constant 0 : i32
      %dma_wait3A_94 = tpu.memref_slice %arg7[%mul3A_92, %dma_wait3A_93] : memref<40x128xi32, #tpu.memory_space<vmem>> -> memref<1x128xi32, #tpu.memory_space<vmem>>
      %dma_wait3A_95 = tpu.memref_squeeze %dma_wait3A_94 : memref<1x128xi32, #tpu.memory_space<vmem>> -> memref<128xi32, #tpu.memory_space<vmem>>
      %dma_wait3A_96 = arith.constant 0 : i32
      %dma_wait3A_97 = arith.constant 0 : i32
      %dma_wait3A_98 = tpu.memref_slice %arg2[%dma_wait3A_96, %dma_wait3A_97] : memref<10240x128xf32, #tpu.memory_space<hbm>> -> memref<10240x128xf32, #tpu.memory_space<hbm>>
      tpu.wait_indirect_dma semaphore(%arg13 : memref<!tpu.dma_semaphore, #tpu.memory_space<semaphore_mem>>) src(%dma_wait3A_98 : memref<10240x128xf32, #tpu.memory_space<hbm>>) dst(%arg9 : memref<128x128xf32, #tpu.memory_space<vmem>>)
      "tpu.region"() ({
        %run_scoped3A = tpu.sem_alloc : memref<!tpu.dma_semaphore, #tpu.memory_space<semaphore_mem>>
        %dma_start3A_114 = arith.constant 0 : i32
        %dma_start3A_115 = tpu.memref_slice %arg8[%mul3A_92, %dma_start3A_114] : memref<40x128xi32, #tpu.memory_space<vmem>> -> memref<1x128xi32, #tpu.memory_space<vmem>>
        %dma_start3A_116 = tpu.memref_squeeze %dma_start3A_115 : memref<1x128xi32, #tpu.memory_space<vmem>> -> memref<128xi32, #tpu.memory_space<vmem>>
        %dma_start3A_117 = arith.constant 0 : i32
        %dma_start3A_118 = arith.constant 0 : i32
        %dma_start3A_119 = tpu.memref_slice %arg11[%dma_start3A_117, %dma_start3A_118] : memref<10240x128xf32, #tpu.memory_space<vmem_shared>> -> memref<10240x128xf32, #tpu.memory_space<vmem_shared>>
        tpu.enqueue_indirect_dma source(%arg9 : memref<128x128xf32, #tpu.memory_space<vmem>>) target(%dma_start3A_119 : memref<10240x128xf32, #tpu.memory_space<vmem_shared>>) offsets(%dma_start3A_116 : memref<128xi32, #tpu.memory_space<vmem>>) semaphore(%run_scoped3A : memref<!tpu.dma_semaphore, #tpu.memory_space<semaphore_mem>>) {add = true}
        %dma_wait3A_120 = arith.constant 0 : i32
        %dma_wait3A_121 = tpu.memref_slice %arg8[%mul3A_92, %dma_wait3A_120] : memref<40x128xi32, #tpu.memory_space<vmem>> -> memref<1x128xi32, #tpu.memory_space<vmem>>
        %dma_wait3A_122 = tpu.memref_squeeze %dma_wait3A_121 : memref<1x128xi32, #tpu.memory_space<vmem>> -> memref<128xi32, #tpu.memory_space<vmem>>
        %dma_wait3A_123 = arith.constant 0 : i32
        %dma_wait3A_124 = arith.constant 0 : i32
        %dma_wait3A_125 = tpu.memref_slice %arg11[%dma_wait3A_123, %dma_wait3A_124] : memref<10240x128xf32, #tpu.memory_space<vmem_shared>> -> memref<10240x128xf32, #tpu.memory_space<vmem_shared>>
        tpu.wait_indirect_dma semaphore(%run_scoped3A : memref<!tpu.dma_semaphore, #tpu.memory_space<semaphore_mem>>) src(%arg9 : memref<128x128xf32, #tpu.memory_space<vmem>>) dst(%dma_wait3A_125 : memref<10240x128xf32, #tpu.memory_space<vmem_shared>>)
        tpu.yield
      }) : () -> ()
      %lt3A = arith.constant 19 : i32
      %lt3A_99 = arith.cmpi slt, %add3A_90, %lt3A : i32
      %convert_element_type3A = arith.extui %lt3A_99 : i1 to i32
      %cond3A = arith.constant 0 : i32
      %cond3A_100 = arith.cmpi ne, %convert_element_type3A, %cond3A : i32
      scf.if %cond3A_100 {
        %add3A_114 = arith.constant 2 : i32
        %add3A_115 = arith.addi %mul3A_92, %add3A_114 : i32
        %dma_start3A_116 = arith.constant 0 : i32
        %dma_start3A_117 = tpu.memref_slice %arg7[%add3A_115, %dma_start3A_116] : memref<40x128xi32, #tpu.memory_space<vmem>> -> memref<1x128xi32, #tpu.memory_space<vmem>>
        %dma_start3A_118 = tpu.memref_squeeze %dma_start3A_117 : memref<1x128xi32, #tpu.memory_space<vmem>> -> memref<128xi32, #tpu.memory_space<vmem>>
        %dma_start3A_119 = arith.constant 0 : i32
        %dma_start3A_120 = arith.constant 0 : i32
        %dma_start3A_121 = tpu.memref_slice %arg2[%dma_start3A_119, %dma_start3A_120] : memref<10240x128xf32, #tpu.memory_space<hbm>> -> memref<10240x128xf32, #tpu.memory_space<hbm>>
        tpu.enqueue_indirect_dma source(%dma_start3A_121 : memref<10240x128xf32, #tpu.memory_space<hbm>>) target(%arg9 : memref<128x128xf32, #tpu.memory_space<vmem>>) offsets(%dma_start3A_118 : memref<128xi32, #tpu.memory_space<vmem>>) semaphore(%arg13 : memref<!tpu.dma_semaphore, #tpu.memory_space<semaphore_mem>>)
      } else {
      }
      %add3A_101 = arith.constant 1 : i32
      %add3A_102 = arith.addi %mul3A_92, %add3A_101 : i32
      %dma_wait3A_103 = arith.constant 0 : i32
      %dma_wait3A_104 = tpu.memref_slice %arg7[%add3A_102, %dma_wait3A_103] : memref<40x128xi32, #tpu.memory_space<vmem>> -> memref<1x128xi32, #tpu.memory_space<vmem>>
      %dma_wait3A_105 = tpu.memref_squeeze %dma_wait3A_104 : memref<1x128xi32, #tpu.memory_space<vmem>> -> memref<128xi32, #tpu.memory_space<vmem>>
      %dma_wait3A_106 = arith.constant 0 : i32
      %dma_wait3A_107 = arith.constant 0 : i32
      %dma_wait3A_108 = tpu.memref_slice %arg2[%dma_wait3A_106, %dma_wait3A_107] : memref<10240x128xf32, #tpu.memory_space<hbm>> -> memref<10240x128xf32, #tpu.memory_space<hbm>>
      tpu.wait_indirect_dma semaphore(%arg14 : memref<!tpu.dma_semaphore, #tpu.memory_space<semaphore_mem>>) src(%dma_wait3A_108 : memref<10240x128xf32, #tpu.memory_space<hbm>>) dst(%arg10 : memref<128x128xf32, #tpu.memory_space<vmem>>)
      "tpu.region"() ({
        %run_scoped3A = tpu.sem_alloc : memref<!tpu.dma_semaphore, #tpu.memory_space<semaphore_mem>>
        %dma_start3A_114 = arith.constant 0 : i32
        %dma_start3A_115 = tpu.memref_slice %arg8[%add3A_102, %dma_start3A_114] : memref<40x128xi32, #tpu.memory_space<vmem>> -> memref<1x128xi32, #tpu.memory_space<vmem>>
        %dma_start3A_116 = tpu.memref_squeeze %dma_start3A_115 : memref<1x128xi32, #tpu.memory_space<vmem>> -> memref<128xi32, #tpu.memory_space<vmem>>
        %dma_start3A_117 = arith.constant 0 : i32
        %dma_start3A_118 = arith.constant 0 : i32
        %dma_start3A_119 = tpu.memref_slice %arg11[%dma_start3A_117, %dma_start3A_118] : memref<10240x128xf32, #tpu.memory_space<vmem_shared>> -> memref<10240x128xf32, #tpu.memory_space<vmem_shared>>
        tpu.enqueue_indirect_dma source(%arg10 : memref<128x128xf32, #tpu.memory_space<vmem>>) target(%dma_start3A_119 : memref<10240x128xf32, #tpu.memory_space<vmem_shared>>) offsets(%dma_start3A_116 : memref<128xi32, #tpu.memory_space<vmem>>) semaphore(%run_scoped3A : memref<!tpu.dma_semaphore, #tpu.memory_space<semaphore_mem>>) {add = true}
        %dma_wait3A_120 = arith.constant 0 : i32
        %dma_wait3A_121 = tpu.memref_slice %arg8[%add3A_102, %dma_wait3A_120] : memref<40x128xi32, #tpu.memory_space<vmem>> -> memref<1x128xi32, #tpu.memory_space<vmem>>
        %dma_wait3A_122 = tpu.memref_squeeze %dma_wait3A_121 : memref<1x128xi32, #tpu.memory_space<vmem>> -> memref<128xi32, #tpu.memory_space<vmem>>
        %dma_wait3A_123 = arith.constant 0 : i32
        %dma_wait3A_124 = arith.constant 0 : i32
        %dma_wait3A_125 = tpu.memref_slice %arg11[%dma_wait3A_123, %dma_wait3A_124] : memref<10240x128xf32, #tpu.memory_space<vmem_shared>> -> memref<10240x128xf32, #tpu.memory_space<vmem_shared>>
        tpu.wait_indirect_dma semaphore(%run_scoped3A : memref<!tpu.dma_semaphore, #tpu.memory_space<semaphore_mem>>) src(%arg10 : memref<128x128xf32, #tpu.memory_space<vmem>>) dst(%dma_wait3A_125 : memref<10240x128xf32, #tpu.memory_space<vmem_shared>>)
        tpu.yield
      }) : () -> ()
      %lt3A_109 = arith.constant 19 : i32
      %lt3A_110 = arith.cmpi slt, %add3A_90, %lt3A_109 : i32
      %convert_element_type3A_111 = arith.extui %lt3A_110 : i1 to i32
      %cond3A_112 = arith.constant 0 : i32
      %cond3A_113 = arith.cmpi ne, %convert_element_type3A_111, %cond3A_112 : i32
      scf.if %cond3A_113 {
        %add3A_114 = arith.constant 2 : i32
        %add3A_115 = arith.addi %add3A_102, %add3A_114 : i32
        %dma_start3A_116 = arith.constant 0 : i32
        %dma_start3A_117 = tpu.memref_slice %arg7[%add3A_115, %dma_start3A_116] : memref<40x128xi32, #tpu.memory_space<vmem>> -> memref<1x128xi32, #tpu.memory_space<vmem>>
        %dma_start3A_118 = tpu.memref_squeeze %dma_start3A_117 : memref<1x128xi32, #tpu.memory_space<vmem>> -> memref<128xi32, #tpu.memory_space<vmem>>
        %dma_start3A_119 = arith.constant 0 : i32
        %dma_start3A_120 = arith.constant 0 : i32
        %dma_start3A_121 = tpu.memref_slice %arg2[%dma_start3A_119, %dma_start3A_120] : memref<10240x128xf32, #tpu.memory_space<hbm>> -> memref<10240x128xf32, #tpu.memory_space<hbm>>
        tpu.enqueue_indirect_dma source(%dma_start3A_121 : memref<10240x128xf32, #tpu.memory_space<hbm>>) target(%arg10 : memref<128x128xf32, #tpu.memory_space<vmem>>) offsets(%dma_start3A_118 : memref<128xi32, #tpu.memory_space<vmem>>) semaphore(%arg14 : memref<!tpu.dma_semaphore, #tpu.memory_space<semaphore_mem>>)
      } else {
      }
    }
    %scan3A_80 = arith.constant 20 : i32
    %barrier3A_81 = arith.constant 0 : index
    tpu.barrier barrier_id(%barrier3A_81)
    %mul3A_82 = arith.constant 640 : i32
    %mul3A_83 = arith.muli %arg1, %mul3A_82 : i32
    %mul3A_84 = arith.constant 640 : i32
    %mul3A_85 = arith.muli %arg1, %mul3A_84 : i32
    "tpu.region"() ({
      %run_scoped3A = tpu.sem_alloc : memref<!tpu.dma_semaphore, #tpu.memory_space<semaphore_mem>>
      %dma_start3A_86 = arith.constant 0 : i32
      %dma_start3A_87 = tpu.memref_slice %arg6[%arg0, %mul3A_85, %dma_start3A_86] : memref<2x10240x128xf32, #tpu.memory_space<hbm>> -> memref<1x640x128xf32, #tpu.memory_space<hbm>>
      %dma_start3A_88 = tpu.memref_squeeze %dma_start3A_87 : memref<1x640x128xf32, #tpu.memory_space<hbm>> -> memref<640x128xf32, #tpu.memory_space<hbm>>
      %dma_start3A_89 = arith.constant 0 : i32
      %dma_start3A_90 = tpu.memref_slice %arg11[%mul3A_83, %dma_start3A_89] : memref<10240x128xf32, #tpu.memory_space<vmem_shared>> -> memref<640x128xf32, #tpu.memory_space<vmem_shared>>
      tpu.enqueue_dma source(%dma_start3A_90 : memref<640x128xf32, #tpu.memory_space<vmem_shared>>) target(%dma_start3A_88 : memref<640x128xf32, #tpu.memory_space<hbm>>) target_semaphore(%run_scoped3A : memref<!tpu.dma_semaphore, #tpu.memory_space<semaphore_mem>>)
      %dma_wait3A_91 = arith.constant 0 : i32
      %dma_wait3A_92 = tpu.memref_slice %arg6[%arg0, %mul3A_85, %dma_wait3A_91] : memref<2x10240x128xf32, #tpu.memory_space<hbm>> -> memref<1x640x128xf32, #tpu.memory_space<hbm>>
      %dma_wait3A_93 = tpu.memref_squeeze %dma_wait3A_92 : memref<1x640x128xf32, #tpu.memory_space<hbm>> -> memref<640x128xf32, #tpu.memory_space<hbm>>
      %dma_wait3A_94 = arith.constant 0 : i32
      %dma_wait3A_95 = tpu.memref_slice %arg11[%mul3A_83, %dma_wait3A_94] : memref<10240x128xf32, #tpu.memory_space<vmem_shared>> -> memref<640x128xf32, #tpu.memory_space<vmem_shared>>
      tpu.wait_dma2 semaphore(%run_scoped3A : memref<!tpu.dma_semaphore, #tpu.memory_space<semaphore_mem>>) src(%dma_wait3A_95 : memref<640x128xf32, #tpu.memory_space<vmem_shared>>) dst(%dma_wait3A_93 : memref<640x128xf32, #tpu.memory_space<hbm>>)
      tpu.yield
    }) : () -> ()
    return
  }
}

module attributes {stable_mosaic.version = 14 : i64} {
  func.func @body(%arg0: i32, %arg1: memref<1024x128xf32, #tpu.memory_space<vmem>>, %arg2: memref<1x1024x1xf32, #tpu.memory_space<vmem>>, %arg3: memref<128x128xf32, #tpu.memory_space<vmem>>, %arg4: memref<1x128xf32, #tpu.memory_space<vmem>>, %arg5: memref<1024x128xf32, #tpu.memory_space<vmem>>) attributes {dimension_semantics = [#tpu.dimension_semantics<arbitrary>], iteration_bounds = array<i64: 10>, scalar_prefetch = 0 : i64, scratch_operands = 0 : i64, tpu.core_type = #tpu.core_type<tc>, window_params = [{transform_indices = @transform_0, window_bounds = array<i64: 1024, 128>}, {transform_indices = @transform_1, window_bounds = array<i64: 1, 1024, 1>}, {pipeline_mode = #tpu.pipeline_mode<synchronous>, transform_indices = @transform_2, window_bounds = array<i64: 128, 128>}, {pipeline_mode = #tpu.pipeline_mode<synchronous>, transform_indices = @transform_3, window_bounds = array<i64: 1, 128>}, {transform_indices = @transform_4, window_bounds = array<i64: 1024, 128>}]} {
    %get3A = arith.constant 0 : index
    %get3A_0 = arith.constant 0 : index
    %get3A_1 = arith.constant 0 : index
    %get3A_2 = vector.load %arg2[%get3A, %get3A_0, %get3A_1] : memref<1x1024x1xf32, #tpu.memory_space<vmem>>, vector<1x1024x1xf32>
    %get3A_3 = vector.shape_cast %get3A_2 : vector<1x1024x1xf32> to vector<1024x1xf32>
    %max3A = arith.constant 1.000000e+00 : f32
    %max3A_4 = vector.broadcast %max3A : f32 to vector<1024x1xf32>
    %max3A_5 = arith.maximumf %get3A_3, %max3A_4 : vector<1024x1xf32>
    %rsqrt3A = math.rsqrt %max3A_5 : vector<1024x1xf32>
    %get3A_6 = arith.constant 0 : index
    %get3A_7 = arith.constant 0 : index
    %get3A_8 = vector.load %arg1[%get3A_6, %get3A_7] : memref<1024x128xf32, #tpu.memory_space<vmem>>, vector<1024x128xf32>
    %get3A_9 = arith.constant 0 : index
    %get3A_10 = arith.constant 0 : index
    %get3A_11 = vector.load %arg3[%get3A_9, %get3A_10] : memref<128x128xf32, #tpu.memory_space<vmem>>, vector<128x128xf32>
    %dot_general3A = arith.constant dense<0.000000e+00> : vector<1024x128xf32>
    %dot_general3A_12 = tpu.matmul %get3A_8, %get3A_11, %dot_general3A {dimension_numbers = #tpu.dot_dimension_numbers<[1], [0], [0], [1], [0, 0, 1, 1], [], []>, transpose_lhs_hint = false} : vector<1024x128xf32>, vector<128x128xf32>, vector<1024x128xf32> -> vector<1024x128xf32>
    %get3A_13 = arith.constant 0 : index
    %get3A_14 = arith.constant 0 : index
    %get3A_15 = vector.load %arg4[%get3A_13, %get3A_14] : memref<1x128xf32, #tpu.memory_space<vmem>>, vector<1x128xf32>
    %add3A = vector.broadcast %get3A_15 : vector<1x128xf32> to vector<1024x128xf32>
    %add3A_16 = arith.addf %dot_general3A_12, %add3A : vector<1024x128xf32>
    %mul3A = vector.broadcast %rsqrt3A : vector<1024x1xf32> to vector<1024x128xf32>
    %mul3A_17 = arith.mulf %add3A_16, %mul3A : vector<1024x128xf32>
    %swap3A = arith.constant 0 : index
    %swap3A_18 = arith.constant 0 : index
    %swap3A_19 = vector.load %arg5[%swap3A, %swap3A_18] : memref<1024x128xf32, #tpu.memory_space<vmem>>, vector<1024x128xf32>
    tpu.vector_store %arg5[%swap3A, %swap3A_18], %mul3A_17 {strides = array<i32>} : memref<1024x128xf32, #tpu.memory_space<vmem>>, vector<1024x128xf32>,
    return
  }
  func.func @transform_0(%arg0: i32) -> (i32, i32) {
    %c0_i32 = arith.constant 0 : i32
    %c0_i32_0 = arith.constant 0 : i32
    return %arg0, %c0_i32 : i32, i32
  }
  func.func @transform_1(%arg0: i32) -> (i32, i32, i32) {
    %c0_i32 = arith.constant 0 : i32
    %c0_i32_0 = arith.constant 0 : i32
    %c0_i32_1 = arith.constant 0 : i32
    return %c0_i32, %arg0, %c0_i32_0 : i32, i32, i32
  }
  func.func @transform_2(%arg0: i32) -> (i32, i32) {
    %c0_i32 = arith.constant 0 : i32
    %c0_i32_0 = arith.constant 0 : i32
    %c0_i32_1 = arith.constant 0 : i32
    return %c0_i32, %c0_i32_0 : i32, i32
  }
  func.func @transform_3(%arg0: i32) -> (i32, i32) {
    %c0_i32 = arith.constant 0 : i32
    %c0_i32_0 = arith.constant 0 : i32
    %c0_i32_1 = arith.constant 0 : i32
    return %c0_i32, %c0_i32_0 : i32, i32
  }
  func.func @transform_4(%arg0: i32) -> (i32, i32) {
    %c0_i32 = arith.constant 0 : i32
    %c0_i32_0 = arith.constant 0 : i32
    return %arg0, %c0_i32 : i32, i32
  }
}

module attributes {stable_mosaic.version = 14 : i64} {
  func.func @body(%arg0: i32, %arg1: memref<1x1024x128xf32, #tpu.memory_space<vmem>>, %arg2: memref<1x1024x128xf32, #tpu.memory_space<vmem>>, %arg3: memref<1x1024x1xf32, #tpu.memory_space<vmem>>, %arg4: memref<1x1024x1xf32, #tpu.memory_space<vmem>>, %arg5: memref<128x128xf32, #tpu.memory_space<vmem>>, %arg6: memref<1x128xf32, #tpu.memory_space<vmem>>, %arg7: memref<1024x128xf32, #tpu.memory_space<vmem>>) attributes {dimension_semantics = [#tpu.dimension_semantics<arbitrary>], iteration_bounds = array<i64: 10>, scalar_prefetch = 0 : i64, scratch_operands = 0 : i64, tpu.core_type = #tpu.core_type<tc>, window_params = [{transform_indices = @transform_0, window_bounds = array<i64: 1, 1024, 128>}, {transform_indices = @transform_1, window_bounds = array<i64: 1, 1024, 128>}, {transform_indices = @transform_2, window_bounds = array<i64: 1, 1024, 1>}, {transform_indices = @transform_3, window_bounds = array<i64: 1, 1024, 1>}, {pipeline_mode = #tpu.pipeline_mode<synchronous>, transform_indices = @transform_4, window_bounds = array<i64: 128, 128>}, {pipeline_mode = #tpu.pipeline_mode<synchronous>, transform_indices = @transform_5, window_bounds = array<i64: 1, 128>}, {transform_indices = @transform_6, window_bounds = array<i64: 1024, 128>}]} {
    %get3A = arith.constant 0 : index
    %get3A_0 = arith.constant 0 : index
    %get3A_1 = arith.constant 0 : index
    %get3A_2 = vector.load %arg3[%get3A, %get3A_0, %get3A_1] : memref<1x1024x1xf32, #tpu.memory_space<vmem>>, vector<1x1024x1xf32>
    %get3A_3 = vector.shape_cast %get3A_2 : vector<1x1024x1xf32> to vector<1024x1xf32>
    %max3A = arith.constant 1.000000e+00 : f32
    %max3A_4 = vector.broadcast %max3A : f32 to vector<1024x1xf32>
    %max3A_5 = arith.maximumf %get3A_3, %max3A_4 : vector<1024x1xf32>
    %rsqrt3A = math.rsqrt %max3A_5 : vector<1024x1xf32>
    %get3A_6 = arith.constant 0 : index
    %get3A_7 = arith.constant 0 : index
    %get3A_8 = arith.constant 0 : index
    %get3A_9 = vector.load %arg4[%get3A_6, %get3A_7, %get3A_8] : memref<1x1024x1xf32, #tpu.memory_space<vmem>>, vector<1x1024x1xf32>
    %get3A_10 = vector.shape_cast %get3A_9 : vector<1x1024x1xf32> to vector<1024x1xf32>
    %max3A_11 = arith.constant 1.000000e+00 : f32
    %max3A_12 = vector.broadcast %max3A_11 : f32 to vector<1024x1xf32>
    %max3A_13 = arith.maximumf %get3A_10, %max3A_12 : vector<1024x1xf32>
    %rsqrt3A_14 = math.rsqrt %max3A_13 : vector<1024x1xf32>
    %get3A_15 = arith.constant 0 : index
    %get3A_16 = arith.constant 0 : index
    %get3A_17 = arith.constant 0 : index
    %get3A_18 = vector.load %arg1[%get3A_15, %get3A_16, %get3A_17] : memref<1x1024x128xf32, #tpu.memory_space<vmem>>, vector<1x1024x128xf32>
    %get3A_19 = vector.shape_cast %get3A_18 : vector<1x1024x128xf32> to vector<1024x128xf32>
    %get3A_20 = arith.constant 0 : index
    %get3A_21 = arith.constant 0 : index
    %get3A_22 = arith.constant 0 : index
    %get3A_23 = vector.load %arg2[%get3A_20, %get3A_21, %get3A_22] : memref<1x1024x128xf32, #tpu.memory_space<vmem>>, vector<1x1024x128xf32>
    %get3A_24 = vector.shape_cast %get3A_23 : vector<1x1024x128xf32> to vector<1024x128xf32>
    %add3A = arith.addf %get3A_19, %get3A_24 : vector<1024x128xf32>
    %mul3A = vector.broadcast %rsqrt3A : vector<1024x1xf32> to vector<1024x128xf32>
    %mul3A_25 = arith.mulf %add3A, %mul3A : vector<1024x128xf32>
    %get3A_26 = arith.constant 0 : index
    %get3A_27 = arith.constant 0 : index
    %get3A_28 = vector.load %arg5[%get3A_26, %get3A_27] : memref<128x128xf32, #tpu.memory_space<vmem>>, vector<128x128xf32>
    %dot_general3A = arith.constant dense<0.000000e+00> : vector<1024x128xf32>
    %dot_general3A_29 = tpu.matmul %mul3A_25, %get3A_28, %dot_general3A {dimension_numbers = #tpu.dot_dimension_numbers<[1], [0], [0], [1], [0, 0, 1, 1], [], []>, transpose_lhs_hint = false} : vector<1024x128xf32>, vector<128x128xf32>, vector<1024x128xf32> -> vector<1024x128xf32>
    %get3A_30 = arith.constant 0 : index
    %get3A_31 = arith.constant 0 : index
    %get3A_32 = vector.load %arg6[%get3A_30, %get3A_31] : memref<1x128xf32, #tpu.memory_space<vmem>>, vector<1x128xf32>
    %add3A_33 = vector.broadcast %get3A_32 : vector<1x128xf32> to vector<1024x128xf32>
    %add3A_34 = arith.addf %dot_general3A_29, %add3A_33 : vector<1024x128xf32>
    %max3A_35 = arith.constant 0.000000e+00 : f32
    %max3A_36 = vector.broadcast %max3A_35 : f32 to vector<1024x128xf32>
    %max3A_37 = arith.maximumf %add3A_34, %max3A_36 : vector<1024x128xf32>
    %mul3A_38 = vector.broadcast %rsqrt3A_14 : vector<1024x1xf32> to vector<1024x128xf32>
    %mul3A_39 = arith.mulf %max3A_37, %mul3A_38 : vector<1024x128xf32>
    %swap3A = arith.constant 0 : index
    %swap3A_40 = arith.constant 0 : index
    %swap3A_41 = vector.load %arg7[%swap3A, %swap3A_40] : memref<1024x128xf32, #tpu.memory_space<vmem>>, vector<1024x128xf32>
    tpu.vector_store %arg7[%swap3A, %swap3A_40], %mul3A_39 {strides = array<i32>} : memref<1024x128xf32, #tpu.memory_space<vmem>>, vector<1024x128xf32>,
    return
  }
  func.func @transform_0(%arg0: i32) -> (i32, i32, i32) {
    %c0_i32 = arith.constant 0 : i32
    %c0_i32_0 = arith.constant 0 : i32
    %c0_i32_1 = arith.constant 0 : i32
    return %c0_i32, %arg0, %c0_i32_0 : i32, i32, i32
  }
  func.func @transform_1(%arg0: i32) -> (i32, i32, i32) {
    %c1_i32 = arith.constant 1 : i32
    %c0_i32 = arith.constant 0 : i32
    %c0_i32_0 = arith.constant 0 : i32
    return %c1_i32, %arg0, %c0_i32 : i32, i32, i32
  }
  func.func @transform_2(%arg0: i32) -> (i32, i32, i32) {
    %c1_i32 = arith.constant 1 : i32
    %c0_i32 = arith.constant 0 : i32
    %c0_i32_0 = arith.constant 0 : i32
    return %c1_i32, %arg0, %c0_i32 : i32, i32, i32
  }
  func.func @transform_3(%arg0: i32) -> (i32, i32, i32) {
    %c0_i32 = arith.constant 0 : i32
    %c0_i32_0 = arith.constant 0 : i32
    %c0_i32_1 = arith.constant 0 : i32
    return %c0_i32, %arg0, %c0_i32_0 : i32, i32, i32
  }
  func.func @transform_4(%arg0: i32) -> (i32, i32) {
    %c0_i32 = arith.constant 0 : i32
    %c0_i32_0 = arith.constant 0 : i32
    %c0_i32_1 = arith.constant 0 : i32
    return %c0_i32, %c0_i32_0 : i32, i32
  }
  func.func @transform_5(%arg0: i32) -> (i32, i32) {
    %c0_i32 = arith.constant 0 : i32
    %c0_i32_0 = arith.constant 0 : i32
    %c0_i32_1 = arith.constant 0 : i32
    return %c0_i32, %c0_i32_0 : i32, i32
  }
  func.func @transform_6(%arg0: i32) -> (i32, i32) {
    %c0_i32 = arith.constant 0 : i32
    %c0_i32_0 = arith.constant 0 : i32
    return %arg0, %c0_i32 : i32, i32
  }
}

module attributes {stable_mosaic.version = 14 : i64} {
  func.func @body(%arg0: i32, %arg1: memref<1x1024x128xf32, #tpu.memory_space<vmem>>, %arg2: memref<1x1024x128xf32, #tpu.memory_space<vmem>>, %arg3: memref<1x1024x1xf32, #tpu.memory_space<vmem>>, %arg4: memref<128x128xf32, #tpu.memory_space<vmem>>, %arg5: memref<1x128xf32, #tpu.memory_space<vmem>>, %arg6: memref<128x128xf32, #tpu.memory_space<vmem>>, %arg7: memref<1x128xf32, #tpu.memory_space<vmem>>, %arg8: memref<1x128xf32, #tpu.memory_space<vmem>>, %arg9: memref<1x128xf32, #tpu.memory_space<vmem>>) attributes {dimension_semantics = [#tpu.dimension_semantics<arbitrary>], iteration_bounds = array<i64: 10>, scalar_prefetch = 0 : i64, scratch_operands = 1 : i64, tpu.core_type = #tpu.core_type<tc>, window_params = [{transform_indices = @transform_0, window_bounds = array<i64: 1, 1024, 128>}, {transform_indices = @transform_1, window_bounds = array<i64: 1, 1024, 128>}, {transform_indices = @transform_2, window_bounds = array<i64: 1, 1024, 1>}, {pipeline_mode = #tpu.pipeline_mode<synchronous>, transform_indices = @transform_3, window_bounds = array<i64: 128, 128>}, {pipeline_mode = #tpu.pipeline_mode<synchronous>, transform_indices = @transform_4, window_bounds = array<i64: 1, 128>}, {pipeline_mode = #tpu.pipeline_mode<synchronous>, transform_indices = @transform_5, window_bounds = array<i64: 128, 128>}, {pipeline_mode = #tpu.pipeline_mode<synchronous>, transform_indices = @transform_6, window_bounds = array<i64: 1, 128>}, {pipeline_mode = #tpu.pipeline_mode<synchronous>, transform_indices = @transform_7, window_bounds = array<i64: 1, 128>}]} {
    %get3A = arith.constant 0 : index
    %get3A_0 = arith.constant 0 : index
    %get3A_1 = arith.constant 0 : index
    %get3A_2 = vector.load %arg3[%get3A, %get3A_0, %get3A_1] : memref<1x1024x1xf32, #tpu.memory_space<vmem>>, vector<1x1024x1xf32>
    %get3A_3 = vector.shape_cast %get3A_2 : vector<1x1024x1xf32> to vector<1024x1xf32>
    %max3A = arith.constant 1.000000e+00 : f32
    %max3A_4 = vector.broadcast %max3A : f32 to vector<1024x1xf32>
    %max3A_5 = arith.maximumf %get3A_3, %max3A_4 : vector<1024x1xf32>
    %rsqrt3A = math.rsqrt %max3A_5 : vector<1024x1xf32>
    %get3A_6 = arith.constant 0 : index
    %get3A_7 = arith.constant 0 : index
    %get3A_8 = arith.constant 0 : index
    %get3A_9 = vector.load %arg1[%get3A_6, %get3A_7, %get3A_8] : memref<1x1024x128xf32, #tpu.memory_space<vmem>>, vector<1x1024x128xf32>
    %get3A_10 = vector.shape_cast %get3A_9 : vector<1x1024x128xf32> to vector<1024x128xf32>
    %get3A_11 = arith.constant 0 : index
    %get3A_12 = arith.constant 0 : index
    %get3A_13 = arith.constant 0 : index
    %get3A_14 = vector.load %arg2[%get3A_11, %get3A_12, %get3A_13] : memref<1x1024x128xf32, #tpu.memory_space<vmem>>, vector<1x1024x128xf32>
    %get3A_15 = vector.shape_cast %get3A_14 : vector<1x1024x128xf32> to vector<1024x128xf32>
    %add3A = arith.addf %get3A_10, %get3A_15 : vector<1024x128xf32>
    %mul3A = vector.broadcast %rsqrt3A : vector<1024x1xf32> to vector<1024x128xf32>
    %mul3A_16 = arith.mulf %add3A, %mul3A : vector<1024x128xf32>
    %get3A_17 = arith.constant 0 : index
    %get3A_18 = arith.constant 0 : index
    %get3A_19 = vector.load %arg4[%get3A_17, %get3A_18] : memref<128x128xf32, #tpu.memory_space<vmem>>, vector<128x128xf32>
    %dot_general3A = arith.constant dense<0.000000e+00> : vector<1024x128xf32>
    %dot_general3A_20 = tpu.matmul %mul3A_16, %get3A_19, %dot_general3A {dimension_numbers = #tpu.dot_dimension_numbers<[1], [0], [0], [1], [0, 0, 1, 1], [], []>, transpose_lhs_hint = false} : vector<1024x128xf32>, vector<128x128xf32>, vector<1024x128xf32> -> vector<1024x128xf32>
    %get3A_21 = arith.constant 0 : index
    %get3A_22 = arith.constant 0 : index
    %get3A_23 = vector.load %arg5[%get3A_21, %get3A_22] : memref<1x128xf32, #tpu.memory_space<vmem>>, vector<1x128xf32>
    %add3A_24 = vector.broadcast %get3A_23 : vector<1x128xf32> to vector<1024x128xf32>
    %add3A_25 = arith.addf %dot_general3A_20, %add3A_24 : vector<1024x128xf32>
    %max3A_26 = arith.constant 0.000000e+00 : f32
    %max3A_27 = vector.broadcast %max3A_26 : f32 to vector<1024x128xf32>
    %max3A_28 = arith.maximumf %add3A_25, %max3A_27 : vector<1024x128xf32>
    %iota3A = tpu.iota {dimensions = array<i32: 0>} : vector<1024x1xi32>
    %mul3A_29 = arith.constant 1024 : i32
    %mul3A_30 = arith.muli %arg0, %mul3A_29 : i32
    %add3A_31 = vector.broadcast %mul3A_30 : i32 to vector<1024x1xi32>
    %add3A_32 = arith.addi %iota3A, %add3A_31 : vector<1024x1xi32>
    %lt3A = arith.constant 10000 : i32
    %lt3A_33 = vector.broadcast %lt3A : i32 to vector<1024x1xi32>
    %lt3A_34 = arith.cmpi slt, %add3A_32, %lt3A_33 : vector<1024x1xi32>
    %jit3A = arith.constant 0.000000e+00 : f32
    %broadcast_in_dim3A = vector.shape_cast %lt3A_34 : vector<1024x1xi1> to vector<1024x1xi1>
    %broadcast_in_dim3A_35 = vector.broadcast %broadcast_in_dim3A : vector<1024x1xi1> to vector<1024x128xi1>
    %broadcast_in_dim3A_36 = vector.broadcast %jit3A : f32 to vector<1024x128xf32>
    %select_n3A = arith.select %broadcast_in_dim3A_35, %max3A_28, %broadcast_in_dim3A_36 : vector<1024x128xi1>, vector<1024x128xf32>
    %reduce_sum3A = arith.constant dense<0.000000e+00> : vector<128xf32>
    %reduce_sum3A_37 = vector.multi_reduction <add>, %select_n3A, %reduce_sum3A [0] : vector<1024x128xf32> to vector<128xf32>
    %broadcast_in_dim3A_38 = vector.shape_cast %reduce_sum3A_37 : vector<128xf32> to vector<1x128xf32>
    %eq3A = arith.constant 0 : i32
    %eq3A_39 = arith.cmpi eq, %arg0, %eq3A : i32
    %convert_element_type3A = arith.extui %eq3A_39 : i1 to i32
    %cond3A = arith.constant 0 : i32
    %cond3A_40 = arith.cmpi ne, %convert_element_type3A, %cond3A : i32
    scf.if %cond3A_40 {
      %swap3A = arith.constant 0 : index
      %swap3A_50 = arith.constant 0 : index
      %swap3A_51 = vector.load %arg9[%swap3A, %swap3A_50] : memref<1x128xf32, #tpu.memory_space<vmem>>, vector<1x128xf32>
      tpu.vector_store %arg9[%swap3A, %swap3A_50], %broadcast_in_dim3A_38 {strides = array<i32>} : memref<1x128xf32, #tpu.memory_space<vmem>>, vector<1x128xf32>,
    } else {
    }
    %gt3A = arith.constant 0 : i32
    %gt3A_41 = arith.cmpi sgt, %arg0, %gt3A : i32
    %convert_element_type3A_42 = arith.extui %gt3A_41 : i1 to i32
    %cond3A_43 = arith.constant 0 : i32
    %cond3A_44 = arith.cmpi ne, %convert_element_type3A_42, %cond3A_43 : i32
    scf.if %cond3A_44 {
      %get3A_50 = arith.constant 0 : index
      %get3A_51 = arith.constant 0 : index
      %get3A_52 = vector.load %arg9[%get3A_50, %get3A_51] : memref<1x128xf32, #tpu.memory_space<vmem>>, vector<1x128xf32>
      %add3A_53 = arith.addf %get3A_52, %broadcast_in_dim3A_38 : vector<1x128xf32>
      %swap3A = arith.constant 0 : index
      %swap3A_54 = arith.constant 0 : index
      %swap3A_55 = vector.load %arg9[%swap3A, %swap3A_54] : memref<1x128xf32, #tpu.memory_space<vmem>>, vector<1x128xf32>
      tpu.vector_store %arg9[%swap3A, %swap3A_54], %add3A_53 {strides = array<i32>} : memref<1x128xf32, #tpu.memory_space<vmem>>, vector<1x128xf32>,
    } else {
    }
    %eq3A_45 = arith.constant 9 : i32
    %eq3A_46 = arith.cmpi eq, %arg0, %eq3A_45 : i32
    %convert_element_type3A_47 = arith.extui %eq3A_46 : i1 to i32
    %cond3A_48 = arith.constant 0 : i32
    %cond3A_49 = arith.cmpi ne, %convert_element_type3A_47, %cond3A_48 : i32
    scf.if %cond3A_49 {
      %get3A_50 = arith.constant 0 : index
      %get3A_51 = arith.constant 0 : index
      %get3A_52 = vector.load %arg9[%get3A_50, %get3A_51] : memref<1x128xf32, #tpu.memory_space<vmem>>, vector<1x128xf32>
      %mul3A_53 = arith.constant 9.99999974E-5 : f32
      %mul3A_54 = vector.broadcast %mul3A_53 : f32 to vector<1x128xf32>
      %mul3A_55 = arith.mulf %get3A_52, %mul3A_54 : vector<1x128xf32>
      %get3A_56 = arith.constant 0 : index
      %get3A_57 = arith.constant 0 : index
      %get3A_58 = vector.load %arg6[%get3A_56, %get3A_57] : memref<128x128xf32, #tpu.memory_space<vmem>>, vector<128x128xf32>
      %dot_general3A_59 = arith.constant dense<0.000000e+00> : vector<1x128xf32>
      %dot_general3A_60 = tpu.matmul %mul3A_55, %get3A_58, %dot_general3A_59 {dimension_numbers = #tpu.dot_dimension_numbers<[1], [0], [0], [1], [0, 0, 1, 1], [], []>, transpose_lhs_hint = false} : vector<1x128xf32>, vector<128x128xf32>, vector<1x128xf32> -> vector<1x128xf32>
      %get3A_61 = arith.constant 0 : index
      %get3A_62 = arith.constant 0 : index
      %get3A_63 = vector.load %arg7[%get3A_61, %get3A_62] : memref<1x128xf32, #tpu.memory_space<vmem>>, vector<1x128xf32>
      %add3A_64 = arith.addf %dot_general3A_60, %get3A_63 : vector<1x128xf32>
      %swap3A = arith.constant 0 : index
      %swap3A_65 = arith.constant 0 : index
      %swap3A_66 = vector.load %arg8[%swap3A, %swap3A_65] : memref<1x128xf32, #tpu.memory_space<vmem>>, vector<1x128xf32>
      tpu.vector_store %arg8[%swap3A, %swap3A_65], %add3A_64 {strides = array<i32>} : memref<1x128xf32, #tpu.memory_space<vmem>>, vector<1x128xf32>,
    } else {
    }
    return
  }
  func.func @transform_0(%arg0: i32) -> (i32, i32, i32) {
    %c0_i32 = arith.constant 0 : i32
    %c0_i32_0 = arith.constant 0 : i32
    %c0_i32_1 = arith.constant 0 : i32
    return %c0_i32, %arg0, %c0_i32_0 : i32, i32, i32
  }
  func.func @transform_1(%arg0: i32) -> (i32, i32, i32) {
    %c1_i32 = arith.constant 1 : i32
    %c0_i32 = arith.constant 0 : i32
    %c0_i32_0 = arith.constant 0 : i32
    return %c1_i32, %arg0, %c0_i32 : i32, i32, i32
  }
  func.func @transform_2(%arg0: i32) -> (i32, i32, i32) {
    %c1_i32 = arith.constant 1 : i32
    %c0_i32 = arith.constant 0 : i32
    %c0_i32_0 = arith.constant 0 : i32
    return %c1_i32, %arg0, %c0_i32 : i32, i32, i32
  }
  func.func @transform_3(%arg0: i32) -> (i32, i32) {
    %c0_i32 = arith.constant 0 : i32
    %c0_i32_0 = arith.constant 0 : i32
    %c0_i32_1 = arith.constant 0 : i32
    return %c0_i32, %c0_i32_0 : i32, i32
  }
  func.func @transform_4(%arg0: i32) -> (i32, i32) {
    %c0_i32 = arith.constant 0 : i32
    %c0_i32_0 = arith.constant 0 : i32
    %c0_i32_1 = arith.constant 0 : i32
    return %c0_i32, %c0_i32_0 : i32, i32
  }
  func.func @transform_5(%arg0: i32) -> (i32, i32) {
    %c0_i32 = arith.constant 0 : i32
    %c0_i32_0 = arith.constant 0 : i32
    %c0_i32_1 = arith.constant 0 : i32
    return %c0_i32, %c0_i32_0 : i32, i32
  }
  func.func @transform_6(%arg0: i32) -> (i32, i32) {
    %c0_i32 = arith.constant 0 : i32
    %c0_i32_0 = arith.constant 0 : i32
    %c0_i32_1 = arith.constant 0 : i32
    return %c0_i32, %c0_i32_0 : i32, i32
  }
  func.func @transform_7(%arg0: i32) -> (i32, i32) {
    %c0_i32 = arith.constant 0 : i32
    %c0_i32_0 = arith.constant 0 : i32
    %c0_i32_1 = arith.constant 0 : i32
    return %c0_i32, %c0_i32_0 : i32, i32
  }
}

</mosaic_0001>

<sc_bundles>
// kernel: kernel.11.cloned.1.call-start
scs
__scs_entry_jumppad:
0x0: {  	(pc) =	sbr.rel $0x88, $3  }
0x1: {  	(tag) =	ssettag $0x0;
	lr =	simm.s32 $0x1  }
0x2: {  	[smem:$0x3F99] =	sst lr;
	_ =	strace $0xD0000000  }
0x3: {  	_ = 	snop  }
0x4: {  	_ = 	snop  }
0x5: {  	_ = 	snop  }
0x6: {  	_ = 	snop  }
0x7: {  	_ = 	snop  }
__scs_overlays_trampoline_lowered:
0x8: {  	[smem:$0x3FA8] =	sst s0  }
0x9: {  	[smem:$0x3FA9] =	sst s1  }
0xa: {  	[smem:$0x3FAA] =	sst s2  }
0xb: {  	[smem:$0x3FAB] =	sst s3  }
0xc: {  	[smem:$0x3FAC] =	sst s4  }
0xd: {  	[smem:$0x3FAD] =	sst s5  }
0xe: {  	[smem:$0x3FAE] =	sst s6  }
0xf: {  	[smem:$0x3FAF] =	sst s7  }
0x10: {  	[smem:$0x3FB0] =	sst s8  }
0x11: {  	[smem:$0x3FB1] =	sst s9;
	s0 =	simm.s32 @!p0 $0x0  }
0x12: {  	s1 =	sld [smem:$0x3F97];
	s0 =	simm.s32 @p0 $0x1  }
0x13: {  	[smem:$0x3FB2] =	sst s0;
	s0 =	simm.s32 @!p1 $0x0  }
0x14: {  	s2 =	sld [smem:$0x3F96];
	s0 =	simm.s32 @p1 $0x1  }
0x15: {  	[smem:$0x3FB3] =	sst s0;
	s0 =	simm.s32 @!p2 $0x0  }
0x16: {  	s3 =	sld [smem:$0x3FDB];
	s0 =	simm.s32 @p2 $0x1  }
0x17: {  	s4 =	simm.s32 $0x1BF5;
	[smem:$0x3FB5] =	sst s0  }
0x18: {  	s0 =	sld [smem:$0x3F98];
	_ =	swait.ge [sflag:s4], $0x0  }
0x19: {  	s7 =	sld [smem:$0x3F99]  }
0x1a: {  	s8 =	sadd.s32 $0xFFFFE003, lr  }
0x1b: {  	s9 =	sadd.s32 $0xFFFFFEF7, lr;
	s5 =	simm.s32 $0xFFFFFFFF;
	p2 =	slt.u32 s8, $0xFFFFF086  }
0x1c: {  	p1 =	slt.u32 s9, $0xF7A;
	s5 =	simm.s32 @!p2 $0x0  }
0x1d: {  	s5 =	simm.s32 @p1 $0x1;
	p0 =	seq.s32 s7, s2  }
0x1e: {  	s7 =	smul.u32 @!p0 $0xF7A, s2;
	p2 =	seq.s32 @!p0 s5, $0x0  }
0x1f: {  	s9 =	smul.u32 $0xF7A, s1;
	s8 =	simm.s32 @!p0 $0x1BF5;
	p2 =	por !p2, p0  }
0x20: {  	[sflag:s8] =	ssyncset.s32 @!p0 $0xFFFFF086;
	s6 =	sadd.s32 @!p0 s3, s7;
	s7 =	simm.s32 @!p0 $0x108  }
0x21: {  	s3 =	sadd.s32 s3, s9;
	s6 =	sadd.s32 @!p0 $0x88, s6;
	s7 =	simm.s32 @p2 $0x1082  }
0x22: {  	[simem:s7], [sflag:s8] =	dma.local @!p0 [hbm:s6], $0xF7A  }
0x23: {  	s9 =	sor.u32 $0xD0000000, s2;
	s6 =	simm.s32 $0x108;
	_ =	swait.ge @!p0 [sflag:s8], $0x0  }
0x24: {  	s3 =	sadd.s32 $0x88, s3;
	s6 =	simm.s32 @!p1 $0x1082;
	[sflag:s4] =	ssyncset.s32 $0xFFFFF086  }
0x25: {  	[simem:s6], [sflag:s4] =	dma.local [hbm:s3], $0xF7A  }
0x26: {  	[smem:$0x3F99] =	sst s1;
	(tag) =	ssettag s2;
	_ =	strace s9  }
0x27: {  	s1 =	sld [smem:$0x3FA9]  }
0x28: {  	s2 =	sld [smem:$0x3FAA]  }
0x29: {  	s4 =	sld [smem:$0x3FAC]  }
0x2a: {  	p0 =	seq.s32 s5, $0x0;
	s5 =	sld [smem:$0x3FAD]  }
0x2b: {  	s6 =	sld [smem:$0x3FAE]  }
0x2c: {  	s7 =	sld [smem:$0x3FAF]  }
0x2d: {  	s3 =	simm.s32 $0x108;
	s8 =	sld [smem:$0x3FB0]  }
0x2e: {  	s3 =	simm.s32 @!p0 $0x1082;
	s9 =	sld [smem:$0x3FB1]  }
0x2f: {  	lr =	sadd.s32 s0, s3;
	s0 =	sld [smem:$0x3FA8]  }
0x30: {  	s3 =	sld [smem:$0x3FAB]  }
0x31: {  	[smem:$0x3FB4] =	sst s10  }
0x32: {  	s10 =	sld [smem:$0x3FB2];
	_ =	sdelay $0x3  }
0x33: {  	p0 =	seq.s32 s10, $0x1;
	s10 =	sld [smem:$0x3FB4];
	_ =	sdelay $0x3  }
0x34: {  	[smem:$0x3FB4] =	sst s10  }
0x35: {  	s10 =	sld [smem:$0x3FB3];
	_ =	sdelay $0x3  }
0x36: {  	p1 =	seq.s32 s10, $0x1;
	s10 =	sld [smem:$0x3FB4];
	_ =	sdelay $0x3  }
0x37: {  	[smem:$0x3FB4] =	sst s10  }
0x38: {  	s10 =	sld [smem:$0x3FB5]  }
0x39: {  	_ = 	snop;
	(pc) =	sbr.ind lr, $3  }
0x3a: {  	_ = 	snop  }
0x3b: {  	_ = 	snop  }
0x3c: {  	p2 =	seq.s32 s10, $0x1;
	s10 =	sld [smem:$0x3FB4]  }
0x3d: {  	_ =	shalt  }
0x3e: {  	_ =	shalt  }
0x3f: {  	_ =	shalt  }
0x40: {  	_ =	shalt  }
0x41: {  	_ =	shalt  }
0x42: {  	_ =	shalt  }
0x43: {  	_ =	shalt  }
0x44: {  	_ =	shalt  }
0x45: {  	_ =	shalt  }
0x46: {  	_ =	shalt  }
0x47: {  	_ =	shalt  }
0x48: {  	_ =	shalt  }
0x49: {  	_ =	shalt  }
0x4a: {  	_ =	shalt  }
0x4b: {  	_ =	shalt  }
0x4c: {  	_ =	shalt  }
0x4d: {  	_ =	shalt  }
0x4e: {  	_ =	shalt  }
0x4f: {  	_ =	shalt  }
0x50: {  	_ =	shalt  }
0x51: {  	_ =	shalt  }
0x52: {  	_ =	shalt  }
0x53: {  	_ =	shalt  }
0x54: {  	_ =	shalt  }
0x55: {  	_ =	shalt  }
0x56: {  	_ =	shalt  }
0x57: {  	_ =	shalt  }
0x58: {  	_ =	shalt  }
0x59: {  	_ =	shalt  }
0x5a: {  	_ =	shalt  }
0x5b: {  	_ =	shalt  }
0x5c: {  	_ =	shalt  }
0x5d: {  	_ =	shalt  }
0x5e: {  	_ =	shalt  }
0x5f: {  	_ =	shalt  }
0x60: {  	_ =	shalt  }
0x61: {  	_ =	shalt  }
0x62: {  	_ =	shalt  }
0x63: {  	_ =	shalt  }
0x64: {  	_ =	shalt  }
0x65: {  	_ =	shalt  }
0x66: {  	_ =	shalt  }
0x67: {  	_ =	shalt  }
0x68: {  	_ =	shalt  }
0x69: {  	_ =	shalt  }
0x6a: {  	_ =	shalt  }
0x6b: {  	_ =	shalt  }
0x6c: {  	_ =	shalt  }
0x6d: {  	_ =	shalt  }
0x6e: {  	_ =	shalt  }
0x6f: {  	_ =	shalt  }
0x70: {  	_ =	shalt  }
0x71: {  	_ =	shalt  }
0x72: {  	_ =	shalt  }
0x73: {  	_ =	shalt  }
0x74: {  	_ =	shalt  }
0x75: {  	_ =	shalt  }
0x76: {  	_ =	shalt  }
0x77: {  	_ =	shalt  }
0x78: {  	_ =	shalt  }
0x79: {  	_ =	shalt  }
0x7a: {  	_ =	shalt  }
0x7b: {  	_ =	shalt  }
0x7c: {  	_ =	shalt  }
0x7d: {  	_ =	shalt  }
0x7e: {  	_ =	shalt  }
0x7f: {  	_ =	shalt  }
0x80: {  	_ =	shalt  }
0x81: {  	_ =	shalt  }
0x82: {  	_ =	shalt  }
0x83: {  	_ =	shalt  }
0x84: {  	_ =	shalt  }
0x85: {  	_ =	shalt  }
0x86: {  	_ =	shalt  }
0x87: {  	_ =	shalt  }
.Lfunc_end0:
.L_simem_size_0:
called_computation.1_lowered:
.L_overlay_start_0:
0x88: {  	s2 =	sld [smem:$0x3FD9]  }
0x89: {  	s3 =	sld [smem:$0x3FFE];
	_ =	sdelay $0x1  }
0x8a: {  	s1 =	srdreg.scid  }
0x8b: {  	s0 =	sand.u32 $0x1, s1  }
0x8c: {  	s16 =	sshll.u32 s0, $0xA;
	s2 =	sadd.s32 s3, s2  }
0x8d: {  	s2 =	sadd.s32 s2, s16  }
0x8e: {  	[smem:$0x3FC0] =	sst s2  }
0x8f: {  	_ = 	snop  }
0x90: {  	(tm) =	ssettm $0x1  }
0x91: {  	s17 =	sld [smem:$0x3FFB];
	_ =	sdelay $0x3  }
0x92: {  	_ =	strace s17  }
0x93: {  	s2 =	sld [smem:$0x3FFC];
	_ =	sdelay $0x3  }
0x94: {  	_ =	strace s2  }
0x95: {  	s2 =	sld [smem:$0x3FFD];
	_ =	sdelay $0x3  }
0x96: {  	_ =	strace s2  }
0x97: {  	_ =	strace $0x8FFFFFFF  }
0x98: {  	s18 =	sld [smem:$0x3FDB];
	_ =	sdelay $0x1  }
0x99: {  	s19 =	simm.s32 $_scs_section_size  }
0x9a: {  	s4 =	simm.s32 $_size__tile_overlayer_lowered;
	s5 =	simm.s32 $_tile_overlayer_lowered  }
0x9b: {  	s22 =	simm.s32 $0x1BFF;
	s21 =	sshll.u32 s5, $0x1;
	s2 =	sadd.s32 s19, s18  }
0x9c: {  	s6 =	simm.s32 $0x0;
	s20 =	sshll.u32 s4, $0x1;
	s4 =	sadd.s32 s21, s2  }
0x9d: {  	[timem:s6], [sflag:s22] =	dma.local [hbm:s4], s20  }
0x9e: {  	_ =	swait.ge [sflag:s22], s20  }
0x9f: {  	s3 =	ssub.s32 $0x0, s20;
	[sflag:s22] =	ssyncset.done $0x0  }
0xa0: {  	[sflag:s22] =	ssyncadd.s32 s3;
	_ =	sdelay $0x1  }
0xa1: {  	s23 =	simm.s32 $0x1B8B  }
0xa2: {  	_ =	swait.ge [sflag:s23], $0x1  }
0xa3: {  	[sflag:s23] =	ssyncset.done $0x0  }
0xa4: {  	s25 =	simm.s32 $0x1B8E;
	s24 =	sld [smem:$0x3FFE];
	[sflag:s23] =	ssyncadd.s32 $0xFFFFFFFF  }
0xa5: {  	s26 =	simm.s32 $execute0_lowered;
	[smem:$0x3FD2] =	sst s25  }
0xa6: {  	s4 =	sshll.u32 s26, $0x1;
	_ =	strace $0x80000049;
	[dreg:$0x1] =	wrdreg $0xFFFFFFFF  }
0xa7: {  	s28 =	simm.s32 $_size_execute0_lowered;
	s2 =	sadd.s32 s2, s4;
	[dreg:$0x0] =	wrdreg $0x0  }
0xa8: {  	s4 =	sshll.u32 s28, $0x1;
	[dreg:$0x2] =	wrdreg s2  }
0xa9: {  	[dreg:$0x3] =	wrdreg s4  }
0xaa: {  	[dreg:$0x4] =	wrdreg $0xC0  }
0xab: {  	_ =	task [dreg:s6], $0x5FFFF  }
0xac: {  	[dreg:$0x1] =	wrdreg $0xFFFFFFFF  }
0xad: {  	[dreg:$0x0] =	wrdreg $0x60  }
0xae: {  	[dreg:$0x2] =	wrdreg s24  }
0xaf: {  	[dreg:$0x3] =	wrdreg $0xA8000  }
0xb0: {  	[dreg:$0x4] =	wrdreg $0x9  }
0xb1: {  	_ =	task.clear_ibuf [dreg:s6], $0x5FFFF;
	_ =	strace $0x90000049  }
0xb2: {  	s29 =	simm.s32 $0x9;
	_ =	strace $0x8000004B  }
0xb3: {  	_ =	swait.ge [sflag:s29], $0x1  }
0xb4: {  	[sflag:s29] =	ssyncadd.s32 $0xFFFFFFFF  }
0xb5: {  	_ =	strace $0x9000004B  }
0xb6: {  	_ =	sfence  }
0xb7: {  	s30 =	sld [smem:$0x0];
	_ =	sdelay $0x2  }
0xb8: {  	s31 =	sshll.u32 s1, $0xD;
	s1 =	sshrl.u32 s1, $0x2  }
0xb9: {  	s3 =	sand.u32 $0x4000, s31;
	s1 =	sadd.s32 s1, s30  }
0xba: {  	s0 =	sor.u32 s3, s0;
	s1 =	sshll.u32 s1, $0x11  }
0xbb: {  	s0 =	sor.u32 s1, s0  }
0xbc: {  	s0 =	sadd.s32 $0x8F2B, s0  }
0xbd: {  	[sflag:s0] =	ssyncadd.remote.s32 $0x1  }
0xbe: {  	_ =	sfence.sel $0xFFFF  }
0xbf: {  	[dreg:$0x0] =	wrdreg $0xFFFFFFFF;
	(pc) =	sbr.abs _section_cstart, $3  }
0xc0: {  	[dreg:$0x1] =	wrdreg $0xFFFFFFFF  }
0xc1: {  	_ =	task.clear_ibuf [dreg:s6], $0x2FFFF;
	_ =	strace $0x9FFFFFFF  }
0xc2: {  	(tm) =	ssettm $0x7FFFFFFF  }
0xc3: {  	_ =	shalt  }
tec
execute0_lowered:
.L_overlay_start_1:
0x0: {  	(tag) =	ssettag $0x1  }
0x1: {  	s6 =	rddreg [dreg:$0x0]  }
0x2: {  	s1 =	rddreg [dreg:$0x1];
	s2 =	simm.s32 $0x0  }
0x3: {  	s3 =	srdreg.scid;
	s21 =	simm.s32 $0x80;
	s28 =	simm.s32 $0x2780  }
0x4: {  	s29 =	simm.s32 $0x0;
	[smem:$0x7FF] =	sst s2;
	s7 =	sand.u32 $0x1, s3  }
0x5: {  	s3 =	stileid.u32;
	s4 =	sadd.s32 $0x7B800, s6;
	s10 =	sadd.s32 $0xD000, s6  }
0x6: {  	s11 =	sadd.s32 $0x3000, s6;
	_ =	strace $0x8000004A;
	s8 =	smul.u32 $0x140000, s7  }
0x7: {  	s9 =	smul.u32 $0x14000, s3;
	s5 =	sshll.u32 s7, $0x4;
	s7 =	ssub.s32 $0x2, s7  }
0x8: {  	s13 =	smul.u32 $0x50000, s3;
	s30 =	sshll.u32 s3, $0x6;
	s12 =	sor.u32 s3, s5  }
0x9: {  	s5 =	sadd.s32 $0x2B000, s6;
	s23 =	sshrl.u32 s7, $0x1;
	s22 =	smul.u32 $0x500, s12  }
0xa: {  	s8 =	sadd.s32 s9, s8;
	s24 =	smul.u32 $0x2800, s12;
	s25 =	ssub.s32 s7, s23  }
0xb: {  	s26 =	sshrl.u32 s13, $0x2;
	s13 =	simm.s32 $0x1400;
	s23 =	simm.s32 $0x6800  }
0xc: {  	s8 =	sshrl.u32 s8, $0x3;
	s16 =	sadd.s32 s26, s1;
	s12 =	smax.u32 s25, $0x1  }
0xd: {  	s25 =	simm.s32 $0x3;
	s26 =	simm.s32 $0x2700;
	s14 =	sadd.s32 s8, s6  }
0xe: {  	s6 =	sadd.s32 s10, s22;
	s7 =	sadd.s32 s11, s22;
	s15 =	sshrl.u32 s24, $0x3  }
0xf: {  	s8 =	sor.u32 $0x1C04, s30;
	s17 =	sadd.s32 $0x4000, s16;
	s18 =	sadd.s32 $0x8000, s16  }
0x10: {  	s19 =	sadd.s32 $0xC000, s16;
	s20 =	sadd.s32 $0x10000, s16;
	s22 =	simm.s32 $0x2800  }
0x11: {  	s24 =	simm.s32 $0x2;
	s31 =	sadd.s32 $0x280, s15;
	s15 =	simm.s32 $0x4  }
0x12: {  	s9 =	sadd.s32 s10, s31;
	s10 =	sadd.s32 s11, s31;
	s11 =	sadd.s32 $0xA3800, s14  }
0x13: {  	s14 =	sshrl.u32 s16, $0x3;
	s16 =	sshrl.u32 s17, $0x3;
	s17 =	sshrl.u32 s18, $0x3  }
0x14: {  	s18 =	sshrl.u32 s19, $0x3;
	s19 =	sshrl.u32 s20, $0x3;
	s20 =	simm.s32 $0x1  }
.LBB2_1:
0x15: {  	[tilespmem:s2], [sflag:$0x1] =	stream.linear.gather [hbm4b:s6+s2], $0x1400, $0x38;
	[tilespmem:$0x1E800] =	vst v63  }
0x16: {  	_ = 	snop  }
0x17: {  	[tilespmem:s13], [sflag:$0x1] =	stream.linear.gather [hbm4b:s7+s2], $0x1400, $0x38;
	[tilespmem:$0x1E800] =	vst v63  }
0x18: {  	[spmem:s14], [sflag:s8] =	dma.local [hbm:s5], $0x800  }
0x19: {  	_ =	swait.ge [sflag:s15], $0x800  }
0x1a: {  	[sflag:s15] =	ssyncset.done $0x0  }
0x1b: {  	[sflag:s15] =	ssyncadd.s32 $0xFFFFF800  }
0x1c: {  	[spmem:s16], [sflag:s8] =	dma.local [hbm:s5], $0x800  }
0x1d: {  	_ =	swait.ge [sflag:s15], $0x800  }
0x1e: {  	[sflag:s15] =	ssyncset.done $0x0  }
0x1f: {  	[sflag:s15] =	ssyncadd.s32 $0xFFFFF800  }
0x20: {  	[spmem:s17], [sflag:s8] =	dma.local [hbm:s5], $0x800  }
0x21: {  	_ =	swait.ge [sflag:s15], $0x800  }
0x22: {  	[sflag:s15] =	ssyncset.done $0x0  }
0x23: {  	[sflag:s15] =	ssyncadd.s32 $0xFFFFF800  }
0x24: {  	[spmem:s18], [sflag:s8] =	dma.local [hbm:s5], $0x800  }
0x25: {  	_ =	swait.ge [sflag:s15], $0x800  }
0x26: {  	[sflag:s15] =	ssyncset.done $0x0  }
0x27: {  	[sflag:s15] =	ssyncadd.s32 $0xFFFFF800  }
0x28: {  	[spmem:s19], [sflag:s8] =	dma.local [hbm:s5], $0x800  }
0x29: {  	_ =	swait.ge [sflag:s15], $0x800  }
0x2a: {  	[sflag:s15] =	ssyncset.done $0x0  }
0x2b: {  	[sflag:s15] =	ssyncadd.s32 $0xFFFFF800  }
0x2c: {  	_ =	swait.ge [sflag:s20], $0x1400  }
0x2d: {  	[sflag:s20] =	ssyncset.done $0x0  }
0x2e: {  	[sflag:s20] =	ssyncadd.s32 $0xFFFFEC00  }
0x2f: {  	_ =	swait.ge [sflag:s20], $0x1400  }
0x30: {  	[sflag:s20] =	ssyncset.done $0x0  }
0x31: {  	[sflag:s20] =	ssyncadd.s32 $0xFFFFEC00  }
0x32: {  	[tilespmem:s22], [sflag:$0x2] =	stream.indirect.gather [hbm4b:s4+s21], $0x80, s2, s21, $0xb8;
	[tilespmem:$0x1E800] =	vst v63  }
0x33: {  	_ = 	snop  }
0x34: {  	[tilespmem:s23], [sflag:$0x3] =	stream.indirect.gather [hbm4b:s4+s21], $0x80, s21, s21, $0xb8;
	[tilespmem:$0x1E800] =	vst v63  }
0x35: {  	[bflag:$0x0] =	sbarrier.arrive $0xFFFF  }
0x36: {  	_ =	swait.ge [sflag:s24], $0x4000  }
0x37: {  	[sflag:s24] =	ssyncset.done $0x0  }
0x38: {  	s30 =	simm.s32 $0x1400;
	[sflag:s24] =	ssyncadd.s32 $0xFFFFC000  }
0x39: {  	[spmem:s1] =	stream.indirect.scatter.add.f32 [tilespmem:s22], [sflag:$0x4], $0x80, s30, s21, $0xb8;
	[tilespmem:$0x1E800] =	vst v63  }
0x3a: {  	_ =	swait.ge [sflag:s15], $0x4000  }
0x3b: {  	[sflag:s15] =	ssyncset.done $0x0  }
0x3c: {  	s30 =	simm.s32 $0x100;
	[sflag:s15] =	ssyncadd.s32 $0xFFFFC000  }
0x3d: {  	[tilespmem:s22], [sflag:$0x2] =	stream.indirect.gather [hbm4b:s4+s21], $0x80, s30, s21, $0xb8;
	[tilespmem:$0x1E800] =	vst v63  }
0x3e: {  	_ =	swait.ge [sflag:s25], $0x4000  }
0x3f: {  	[sflag:s25] =	ssyncset.done $0x0  }
0x40: {  	s30 =	simm.s32 $0x1480;
	[sflag:s25] =	ssyncadd.s32 $0xFFFFC000  }
0x41: {  	[spmem:s1] =	stream.indirect.scatter.add.f32 [tilespmem:s23], [sflag:$0x4], $0x80, s30, s21, $0xb8;
	[tilespmem:$0x1E800] =	vst v63  }
0x42: {  	_ =	swait.ge [sflag:s15], $0x4000  }
0x43: {  	[sflag:s15] =	ssyncset.done $0x0  }
0x44: {  	s31 =	simm.s32 $0x180;
	s30 =	simm.s32 $0x400;
	[sflag:s15] =	ssyncadd.s32 $0xFFFFC000  }
.LBB2_2:
0x45: {  	[tilespmem:s23], [sflag:$0x3] =	stream.indirect.gather [hbm4b:s4+s21], $0x80, s31, s21, $0xb8;
	[tilespmem:$0x1E800] =	vst v63  }
0x46: {  	s31 =	smov.u32 s30  }
0x47: {  	p0 =	sne.s32 s30, $0x4800;
	s30 =	sadd.s32 $0x400, s30;
	_ =	swait.ge [sflag:s24], $0x4000  }
0x48: {  	s31 =	sshra.s32 s31, $0x2;
	[sflag:s24] =	ssyncset.done $0x0  }
0x49: {  	s0 =	sadd.s32 $0x1400, s31;
	[sflag:s24] =	ssyncadd.s32 $0xFFFFC000  }
0x4a: {  	[spmem:s1] =	stream.indirect.scatter.add.f32 [tilespmem:s22], [sflag:$0x4], $0x80, s0, s21, $0xb8;
	[tilespmem:$0x1E800] =	vst v63  }
0x4b: {  	_ =	swait.ge [sflag:s15], $0x4000  }
0x4c: {  	[sflag:s15] =	ssyncset.done $0x0  }
0x4d: {  	s0 =	sadd.s32 $0x100, s31;
	[sflag:s15] =	ssyncadd.s32 $0xFFFFC000  }
0x4e: {  	[tilespmem:s22], [sflag:$0x2] =	stream.indirect.gather [hbm4b:s4+s21], $0x80, s0, s21, $0xb8;
	[tilespmem:$0x1E800] =	vst v63  }
0x4f: {  	_ =	swait.ge [sflag:s25], $0x4000  }
0x50: {  	[sflag:s25] =	ssyncset.done $0x0  }
.Ltmp0:
0x51: {  	s0 =	sadd.s32 $0x1480, s31;
	[sflag:s25] =	ssyncadd.s32 $0xFFFFC000;
	(pc) =	sbr.rel @p0 .LBB2_2-.Ltmp0, $4  }
0x52: {  	[spmem:s1] =	stream.indirect.scatter.add.f32 [tilespmem:s23], [sflag:$0x4], $0x80, s0, s21, $0xb8;
	[tilespmem:$0x1E800] =	vst v63  }
0x53: {  	_ =	swait.ge [sflag:s15], $0x4000  }
0x54: {  	[sflag:s15] =	ssyncset.done $0x0  }
0x55: {  	s31 =	sadd.s32 $0x180, s31;
	[sflag:s15] =	ssyncadd.s32 $0xFFFFC000  }
0x56: {  	[tilespmem:s23], [sflag:$0x3] =	stream.indirect.gather [hbm4b:s4+s21], $0x80, s31, s21, $0xb8;
	[tilespmem:$0x1E800] =	vst v63  }
0x57: {  	_ =	swait.ge [sflag:s24], $0x4000  }
0x58: {  	[sflag:s24] =	ssyncset.done $0x0  }
0x59: {  	[sflag:s24] =	ssyncadd.s32 $0xFFFFC000  }
0x5a: {  	[spmem:s1] =	stream.indirect.scatter.add.f32 [tilespmem:s22], [sflag:$0x4], $0x80, s26, s21, $0xb8;
	[tilespmem:$0x1E800] =	vst v63  }
0x5b: {  	_ =	swait.ge [sflag:s15], $0x4000  }
0x5c: {  	[sflag:s15] =	ssyncset.done $0x0  }
0x5d: {  	[sflag:s15] =	ssyncadd.s32 $0xFFFFC000  }
0x5e: {  	_ =	swait.ge [sflag:s25], $0x4000  }
0x5f: {  	[sflag:s25] =	ssyncset.done $0x0  }
0x60: {  	[sflag:s25] =	ssyncadd.s32 $0xFFFFC000  }
0x61: {  	[spmem:s1] =	stream.indirect.scatter.add.f32 [tilespmem:s23], [sflag:$0x4], $0x80, s28, s21, $0xb8;
	[tilespmem:$0x1E800] =	vst v63  }
0x62: {  	_ =	swait.ge [sflag:s15], $0x4000  }
0x63: {  	[sflag:s15] =	ssyncset.done $0x0  }
0x64: {  	s0 =	simm.s32 $0x0;
	[sflag:s15] =	ssyncadd.s32 $0xFFFFC000  }
0x65: {  	[tilespmem:s0], [sflag:$0x1] =	stream.linear.gather [hbm4b:s9+s0], $0x1400, $0x38;
	[tilespmem:$0x1E800] =	vst v63  }
0x66: {  	_ = 	snop  }
0x67: {  	[tilespmem:s13], [sflag:$0x1] =	stream.linear.gather [hbm4b:s10+s0], $0x1400, $0x38;
	[tilespmem:$0x1E800] =	vst v63  }
0x68: {  	_ =	swait.ge [sflag:s20], $0x1400  }
0x69: {  	[sflag:s20] =	ssyncset.done $0x0  }
0x6a: {  	[sflag:s20] =	ssyncadd.s32 $0xFFFFEC00  }
0x6b: {  	_ =	swait.ge [sflag:s20], $0x1400  }
0x6c: {  	[sflag:s20] =	ssyncset.done $0x0  }
0x6d: {  	[sflag:s20] =	ssyncadd.s32 $0xFFFFEC00  }
0x6e: {  	[tilespmem:s22], [sflag:$0x2] =	stream.indirect.gather [hbm4b:s4+s21], $0x80, s0, s21, $0xb8;
	[tilespmem:$0x1E800] =	vst v63  }
0x6f: {  	_ = 	snop  }
0x70: {  	[tilespmem:s23], [sflag:$0x3] =	stream.indirect.gather [hbm4b:s4+s21], $0x80, s21, s21, $0xb8;
	[tilespmem:$0x1E800] =	vst v63  }
0x71: {  	_ =	swait.ge [sflag:s24], $0x4000  }
0x72: {  	[sflag:s24] =	ssyncset.done $0x0  }
0x73: {  	s0 =	simm.s32 $0x1400;
	[sflag:s24] =	ssyncadd.s32 $0xFFFFC000  }
0x74: {  	[spmem:s1] =	stream.indirect.scatter.add.f32 [tilespmem:s22], [sflag:$0x4], $0x80, s0, s21, $0xb8;
	[tilespmem:$0x1E800] =	vst v63  }
0x75: {  	_ =	swait.ge [sflag:s15], $0x4000  }
0x76: {  	[sflag:s15] =	ssyncset.done $0x0  }
0x77: {  	s0 =	simm.s32 $0x100;
	[sflag:s15] =	ssyncadd.s32 $0xFFFFC000  }
0x78: {  	[tilespmem:s22], [sflag:$0x2] =	stream.indirect.gather [hbm4b:s4+s21], $0x80, s0, s21, $0xb8;
	[tilespmem:$0x1E800] =	vst v63  }
0x79: {  	_ =	swait.ge [sflag:s25], $0x4000  }
0x7a: {  	[sflag:s25] =	ssyncset.done $0x0  }
0x7b: {  	s0 =	simm.s32 $0x1480;
	[sflag:s25] =	ssyncadd.s32 $0xFFFFC000  }
0x7c: {  	[spmem:s1] =	stream.indirect.scatter.add.f32 [tilespmem:s23], [sflag:$0x4], $0x80, s0, s21, $0xb8;
	[tilespmem:$0x1E800] =	vst v63  }
0x7d: {  	_ =	swait.ge [sflag:s15], $0x4000  }
0x7e: {  	[sflag:s15] =	ssyncset.done $0x0  }
0x7f: {  	s30 =	simm.s32 $0x400;
	s31 =	simm.s32 $0x180;
	[sflag:s15] =	ssyncadd.s32 $0xFFFFC000  }
.LBB2_4:
0x80: {  	[tilespmem:s23], [sflag:$0x3] =	stream.indirect.gather [hbm4b:s4+s21], $0x80, s31, s21, $0xb8;
	[tilespmem:$0x1E800] =	vst v63  }
0x81: {  	s0 =	smov.u32 s30  }
0x82: {  	p0 =	sne.s32 s30, $0x4800;
	s30 =	sadd.s32 $0x400, s30;
	_ =	swait.ge [sflag:s24], $0x4000  }
0x83: {  	s0 =	sshra.s32 s0, $0x2;
	[sflag:s24] =	ssyncset.done $0x0  }
0x84: {  	s31 =	sadd.s32 $0x1400, s0;
	[sflag:s24] =	ssyncadd.s32 $0xFFFFC000  }
0x85: {  	[spmem:s1] =	stream.indirect.scatter.add.f32 [tilespmem:s22], [sflag:$0x4], $0x80, s31, s21, $0xb8;
	[tilespmem:$0x1E800] =	vst v63  }
0x86: {  	_ =	swait.ge [sflag:s15], $0x4000  }
0x87: {  	[sflag:s15] =	ssyncset.done $0x0  }
0x88: {  	s31 =	sadd.s32 $0x100, s0;
	[sflag:s15] =	ssyncadd.s32 $0xFFFFC000  }
0x89: {  	[tilespmem:s22], [sflag:$0x2] =	stream.indirect.gather [hbm4b:s4+s21], $0x80, s31, s21, $0xb8;
	[tilespmem:$0x1E800] =	vst v63  }
0x8a: {  	_ =	swait.ge [sflag:s25], $0x4000  }
0x8b: {  	[sflag:s25] =	ssyncset.done $0x0  }
.Ltmp1:
0x8c: {  	s31 =	sadd.s32 $0x1480, s0;
	[sflag:s25] =	ssyncadd.s32 $0xFFFFC000;
	(pc) =	sbr.rel @p0 .LBB2_4-.Ltmp1, $4  }
0x8d: {  	[spmem:s1] =	stream.indirect.scatter.add.f32 [tilespmem:s23], [sflag:$0x4], $0x80, s31, s21, $0xb8;
	[tilespmem:$0x1E800] =	vst v63  }
0x8e: {  	_ =	swait.ge [sflag:s15], $0x4000  }
0x8f: {  	[sflag:s15] =	ssyncset.done $0x0  }
0x90: {  	s31 =	sadd.s32 $0x180, s0;
	[sflag:s15] =	ssyncadd.s32 $0xFFFFC000  }
0x91: {  	[tilespmem:s23], [sflag:$0x3] =	stream.indirect.gather [hbm4b:s4+s21], $0x80, s31, s21, $0xb8;
	[tilespmem:$0x1E800] =	vst v63  }
0x92: {  	_ =	swait.ge [sflag:s24], $0x4000  }
0x93: {  	[sflag:s24] =	ssyncset.done $0x0  }
0x94: {  	[sflag:s24] =	ssyncadd.s32 $0xFFFFC000  }
0x95: {  	[spmem:s1] =	stream.indirect.scatter.add.f32 [tilespmem:s22], [sflag:$0x4], $0x80, s26, s21, $0xb8;
	[tilespmem:$0x1E800] =	vst v63  }
0x96: {  	_ =	swait.ge [sflag:s15], $0x4000  }
0x97: {  	[sflag:s15] =	ssyncset.done $0x0  }
0x98: {  	[sflag:s15] =	ssyncadd.s32 $0xFFFFC000  }
0x99: {  	_ =	swait.ge [sflag:s25], $0x4000  }
0x9a: {  	[sflag:s25] =	ssyncset.done $0x0  }
0x9b: {  	[sflag:s25] =	ssyncadd.s32 $0xFFFFC000  }
0x9c: {  	[spmem:s1] =	stream.indirect.scatter.add.f32 [tilespmem:s23], [sflag:$0x4], $0x80, s28, s21, $0xb8;
	[tilespmem:$0x1E800] =	vst v63  }
0x9d: {  	_ =	swait.ge [sflag:s15], $0x4000  }
0x9e: {  	s29 =	sadd.s32 $0x1, s29;
	[sflag:s15] =	ssyncset.done $0x0  }
0x9f: {  	p0 =	sne.s32 s29, s12;
	[sflag:s15] =	ssyncadd.s32 $0xFFFFC000  }
.Ltmp2:
0xa0: {  	[bflag:$0x0] =	sbarrier.arrive $0xFFFF;
	(pc) =	sbr.rel @p0 .LBB2_1-.Ltmp2, $4  }
0xa1: {  	[hbm:s11], [sflag:s8] =	dma.local [spmem:s14], $0x2800  }
0xa2: {  	_ =	swait.ge [sflag:s15], $0x2800  }
0xa3: {  	[sflag:s15] =	ssyncset.done $0x0  }
0xa4: {  	[sflag:s15] =	ssyncadd.s32 $0xFFFFD800  }
0xa5: {  	_ =	sfence.sel $0x180000  }
0xa6: {  	[bflag:$0x0] =	sbarrier.arrive $0xFFFF  }
0xa7: {  	_ =	strace $0x9000004A  }
0xa8: {  	[bflag:$0x2] =	sbarrier.arrive $0xFFFF  }
0xa9: {  	p0 =	sne.s32 s3, $0x0;
	s0 =	rddreg [dreg:$0x2]  }
0xaa: {  	s0 =	sadd.s32 @!p0 $0x100000, s0  }
0xab: {  	[sflag:s0] =	ssyncadd.tile.s32 @!p0 $0x1;
	_ =	shalt  }
.Lfunc_end2:
_tile_overlayer_lowered:
.L_overlay_start_2:
0xac: {  	(tag) =	ssettag $0x2  }
0xad: {  	s0 =	rddreg [dreg:$0x0];
	s2 =	stileid.u32  }
0xae: {  	s1 =	rddreg [dreg:$0x1];
	p0 =	sne.s32 s2, $0x0  }
0xaf: {  	s3 =	rddreg [dreg:$0x2];
	[bflag:$0x3] =	sbarrier.arrive $0xFFFF;
	s2 =	simm.s32 @!p0 $0x1C04  }
0xb0: {  	[timem:s3], [sflag:s2] =	dma.local @!p0 [hbm:s0], s1  }
0xb1: {  	s0 =	simm.s32 @!p0 $0x4  }
0xb2: {  	_ =	swait.ge @!p0 [sflag:s0], s1  }
0xb3: {  	s1 =	ssub.s32 @!p0 $0x0, s1;
	[sflag:s0] =	ssyncset.done @!p0 $0x0  }
0xb4: {  	[sflag:s0] =	ssyncadd.s32 @!p0 s1  }
0xb5: {  	[bflag:$0x3] =	sbarrier.arrive $0xFFFF  }
0xb6: {  	_ =	shalt  }

// kernel: kernel.14.cloned.1.call-start
scs
__scs_entry_jumppad:
0x0: {  	(pc) =	sbr.rel $0x88, $3  }
0x1: {  	(tag) =	ssettag $0x0;
	lr =	simm.s32 $0x1  }
0x2: {  	[smem:$0x3F99] =	sst lr;
	_ =	strace $0xD0000000  }
0x3: {  	_ = 	snop  }
0x4: {  	_ = 	snop  }
0x5: {  	_ = 	snop  }
0x6: {  	_ = 	snop  }
0x7: {  	_ = 	snop  }
__scs_overlays_trampoline_lowered:
0x8: {  	[smem:$0x3FA8] =	sst s0  }
0x9: {  	[smem:$0x3FA9] =	sst s1  }
0xa: {  	[smem:$0x3FAA] =	sst s2  }
0xb: {  	[smem:$0x3FAB] =	sst s3  }
0xc: {  	[smem:$0x3FAC] =	sst s4  }
0xd: {  	[smem:$0x3FAD] =	sst s5  }
0xe: {  	[smem:$0x3FAE] =	sst s6  }
0xf: {  	[smem:$0x3FAF] =	sst s7  }
0x10: {  	[smem:$0x3FB0] =	sst s8  }
0x11: {  	[smem:$0x3FB1] =	sst s9;
	s0 =	simm.s32 @!p0 $0x0  }
0x12: {  	s1 =	sld [smem:$0x3F97];
	s0 =	simm.s32 @p0 $0x1  }
0x13: {  	[smem:$0x3FB2] =	sst s0;
	s0 =	simm.s32 @!p1 $0x0  }
0x14: {  	s2 =	sld [smem:$0x3F96];
	s0 =	simm.s32 @p1 $0x1  }
0x15: {  	[smem:$0x3FB3] =	sst s0;
	s0 =	simm.s32 @!p2 $0x0  }
0x16: {  	s3 =	sld [smem:$0x3FDB];
	s0 =	simm.s32 @p2 $0x1  }
0x17: {  	s4 =	simm.s32 $0x1BF5;
	[smem:$0x3FB5] =	sst s0  }
0x18: {  	s0 =	sld [smem:$0x3F98];
	_ =	swait.ge [sflag:s4], $0x0  }
0x19: {  	s7 =	sld [smem:$0x3F99]  }
0x1a: {  	s8 =	sadd.s32 $0xFFFFE003, lr  }
0x1b: {  	s9 =	sadd.s32 $0xFFFFFEF7, lr;
	s5 =	simm.s32 $0xFFFFFFFF;
	p2 =	slt.u32 s8, $0xFFFFF086  }
0x1c: {  	p1 =	slt.u32 s9, $0xF7A;
	s5 =	simm.s32 @!p2 $0x0  }
0x1d: {  	s5 =	simm.s32 @p1 $0x1;
	p0 =	seq.s32 s7, s2  }
0x1e: {  	s7 =	smul.u32 @!p0 $0xF7A, s2;
	p2 =	seq.s32 @!p0 s5, $0x0  }
0x1f: {  	s9 =	smul.u32 $0xF7A, s1;
	s8 =	simm.s32 @!p0 $0x1BF5;
	p2 =	por !p2, p0  }
0x20: {  	[sflag:s8] =	ssyncset.s32 @!p0 $0xFFFFF086;
	s6 =	sadd.s32 @!p0 s3, s7;
	s7 =	simm.s32 @!p0 $0x108  }
0x21: {  	s3 =	sadd.s32 s3, s9;
	s6 =	sadd.s32 @!p0 $0x88, s6;
	s7 =	simm.s32 @p2 $0x1082  }
0x22: {  	[simem:s7], [sflag:s8] =	dma.local @!p0 [hbm:s6], $0xF7A  }
0x23: {  	s9 =	sor.u32 $0xD0000000, s2;
	s6 =	simm.s32 $0x108;
	_ =	swait.ge @!p0 [sflag:s8], $0x0  }
0x24: {  	s3 =	sadd.s32 $0x88, s3;
	s6 =	simm.s32 @!p1 $0x1082;
	[sflag:s4] =	ssyncset.s32 $0xFFFFF086  }
0x25: {  	[simem:s6], [sflag:s4] =	dma.local [hbm:s3], $0xF7A  }
0x26: {  	[smem:$0x3F99] =	sst s1;
	(tag) =	ssettag s2;
	_ =	strace s9  }
0x27: {  	s1 =	sld [smem:$0x3FA9]  }
0x28: {  	s2 =	sld [smem:$0x3FAA]  }
0x29: {  	s4 =	sld [smem:$0x3FAC]  }
0x2a: {  	p0 =	seq.s32 s5, $0x0;
	s5 =	sld [smem:$0x3FAD]  }
0x2b: {  	s6 =	sld [smem:$0x3FAE]  }
0x2c: {  	s7 =	sld [smem:$0x3FAF]  }
0x2d: {  	s3 =	simm.s32 $0x108;
	s8 =	sld [smem:$0x3FB0]  }
0x2e: {  	s3 =	simm.s32 @!p0 $0x1082;
	s9 =	sld [smem:$0x3FB1]  }
0x2f: {  	lr =	sadd.s32 s0, s3;
	s0 =	sld [smem:$0x3FA8]  }
0x30: {  	s3 =	sld [smem:$0x3FAB]  }
0x31: {  	[smem:$0x3FB4] =	sst s10  }
0x32: {  	s10 =	sld [smem:$0x3FB2];
	_ =	sdelay $0x3  }
0x33: {  	p0 =	seq.s32 s10, $0x1;
	s10 =	sld [smem:$0x3FB4];
	_ =	sdelay $0x3  }
0x34: {  	[smem:$0x3FB4] =	sst s10  }
0x35: {  	s10 =	sld [smem:$0x3FB3];
	_ =	sdelay $0x3  }
0x36: {  	p1 =	seq.s32 s10, $0x1;
	s10 =	sld [smem:$0x3FB4];
	_ =	sdelay $0x3  }
0x37: {  	[smem:$0x3FB4] =	sst s10  }
0x38: {  	s10 =	sld [smem:$0x3FB5]  }
0x39: {  	_ = 	snop;
	(pc) =	sbr.ind lr, $3  }
0x3a: {  	_ = 	snop  }
0x3b: {  	_ = 	snop  }
0x3c: {  	p2 =	seq.s32 s10, $0x1;
	s10 =	sld [smem:$0x3FB4]  }
0x3d: {  	_ =	shalt  }
0x3e: {  	_ =	shalt  }
0x3f: {  	_ =	shalt  }
0x40: {  	_ =	shalt  }
0x41: {  	_ =	shalt  }
0x42: {  	_ =	shalt  }
0x43: {  	_ =	shalt  }
0x44: {  	_ =	shalt  }
0x45: {  	_ =	shalt  }
0x46: {  	_ =	shalt  }
0x47: {  	_ =	shalt  }
0x48: {  	_ =	shalt  }
0x49: {  	_ =	shalt  }
0x4a: {  	_ =	shalt  }
0x4b: {  	_ =	shalt  }
0x4c: {  	_ =	shalt  }
0x4d: {  	_ =	shalt  }
0x4e: {  	_ =	shalt  }
0x4f: {  	_ =	shalt  }
0x50: {  	_ =	shalt  }
0x51: {  	_ =	shalt  }
0x52: {  	_ =	shalt  }
0x53: {  	_ =	shalt  }
0x54: {  	_ =	shalt  }
0x55: {  	_ =	shalt  }
0x56: {  	_ =	shalt  }
0x57: {  	_ =	shalt  }
0x58: {  	_ =	shalt  }
0x59: {  	_ =	shalt  }
0x5a: {  	_ =	shalt  }
0x5b: {  	_ =	shalt  }
0x5c: {  	_ =	shalt  }
0x5d: {  	_ =	shalt  }
0x5e: {  	_ =	shalt  }
0x5f: {  	_ =	shalt  }
0x60: {  	_ =	shalt  }
0x61: {  	_ =	shalt  }
0x62: {  	_ =	shalt  }
0x63: {  	_ =	shalt  }
0x64: {  	_ =	shalt  }
0x65: {  	_ =	shalt  }
0x66: {  	_ =	shalt  }
0x67: {  	_ =	shalt  }
0x68: {  	_ =	shalt  }
0x69: {  	_ =	shalt  }
0x6a: {  	_ =	shalt  }
0x6b: {  	_ =	shalt  }
0x6c: {  	_ =	shalt  }
0x6d: {  	_ =	shalt  }
0x6e: {  	_ =	shalt  }
0x6f: {  	_ =	shalt  }
0x70: {  	_ =	shalt  }
0x71: {  	_ =	shalt  }
0x72: {  	_ =	shalt  }
0x73: {  	_ =	shalt  }
0x74: {  	_ =	shalt  }
0x75: {  	_ =	shalt  }
0x76: {  	_ =	shalt  }
0x77: {  	_ =	shalt  }
0x78: {  	_ =	shalt  }
0x79: {  	_ =	shalt  }
0x7a: {  	_ =	shalt  }
0x7b: {  	_ =	shalt  }
0x7c: {  	_ =	shalt  }
0x7d: {  	_ =	shalt  }
0x7e: {  	_ =	shalt  }
0x7f: {  	_ =	shalt  }
0x80: {  	_ =	shalt  }
0x81: {  	_ =	shalt  }
0x82: {  	_ =	shalt  }
0x83: {  	_ =	shalt  }
0x84: {  	_ =	shalt  }
0x85: {  	_ =	shalt  }
0x86: {  	_ =	shalt  }
0x87: {  	_ =	shalt  }
.Lfunc_end0:
.L_simem_size_0:
called_computation.2_lowered:
.L_overlay_start_0:
0x88: {  	s2 =	sld [smem:$0x3FD9]  }
0x89: {  	s3 =	sld [smem:$0x3FFE];
	_ =	sdelay $0x1  }
0x8a: {  	s1 =	srdreg.scid  }
0x8b: {  	s0 =	sand.u32 $0x1, s1  }
0x8c: {  	s16 =	sshll.u32 s0, $0xA;
	s2 =	sadd.s32 s3, s2  }
0x8d: {  	s2 =	sadd.s32 s2, s16  }
0x8e: {  	[smem:$0x3FC0] =	sst s2  }
0x8f: {  	_ = 	snop  }
0x90: {  	(tm) =	ssettm $0x1  }
0x91: {  	s17 =	sld [smem:$0x3FFB];
	_ =	sdelay $0x3  }
0x92: {  	_ =	strace s17  }
0x93: {  	s2 =	sld [smem:$0x3FFC];
	_ =	sdelay $0x3  }
0x94: {  	_ =	strace s2  }
0x95: {  	s2 =	sld [smem:$0x3FFD];
	_ =	sdelay $0x3  }
0x96: {  	_ =	strace s2  }
0x97: {  	_ =	strace $0x8FFFFFFF  }
0x98: {  	s18 =	sld [smem:$0x3FDB];
	_ =	sdelay $0x1  }
0x99: {  	s19 =	simm.s32 $_scs_section_size  }
0x9a: {  	s4 =	simm.s32 $_size__tile_overlayer_lowered;
	s5 =	simm.s32 $_tile_overlayer_lowered  }
0x9b: {  	s22 =	simm.s32 $0x1BFF;
	s21 =	sshll.u32 s5, $0x1;
	s2 =	sadd.s32 s19, s18  }
0x9c: {  	s6 =	simm.s32 $0x0;
	s20 =	sshll.u32 s4, $0x1;
	s4 =	sadd.s32 s21, s2  }
0x9d: {  	[timem:s6], [sflag:s22] =	dma.local [hbm:s4], s20  }
0x9e: {  	_ =	swait.ge [sflag:s22], s20  }
0x9f: {  	s3 =	ssub.s32 $0x0, s20;
	[sflag:s22] =	ssyncset.done $0x0  }
0xa0: {  	[sflag:s22] =	ssyncadd.s32 s3;
	_ =	sdelay $0x1  }
0xa1: {  	s23 =	simm.s32 $0x1B8B  }
0xa2: {  	_ =	swait.ge [sflag:s23], $0x1  }
0xa3: {  	[sflag:s23] =	ssyncset.done $0x0  }
0xa4: {  	s25 =	simm.s32 $0x1B8E;
	s24 =	sld [smem:$0x3FFE];
	[sflag:s23] =	ssyncadd.s32 $0xFFFFFFFF  }
0xa5: {  	s26 =	simm.s32 $execute0_lowered;
	[smem:$0x3FD2] =	sst s25  }
0xa6: {  	s4 =	sshll.u32 s26, $0x1;
	_ =	strace $0x8000004C;
	[dreg:$0x1] =	wrdreg $0xFFFFFFFF  }
0xa7: {  	s28 =	simm.s32 $_size_execute0_lowered;
	s2 =	sadd.s32 s2, s4;
	[dreg:$0x0] =	wrdreg $0x0  }
0xa8: {  	s4 =	sshll.u32 s28, $0x1;
	[dreg:$0x2] =	wrdreg s2  }
0xa9: {  	[dreg:$0x3] =	wrdreg s4  }
0xaa: {  	[dreg:$0x4] =	wrdreg $0xC0  }
0xab: {  	_ =	task [dreg:s6], $0x5FFFF  }
0xac: {  	[dreg:$0x1] =	wrdreg $0xFFFFFFFF  }
0xad: {  	[dreg:$0x0] =	wrdreg $0x60  }
0xae: {  	[dreg:$0x2] =	wrdreg s24  }
0xaf: {  	[dreg:$0x3] =	wrdreg $0xA8000  }
0xb0: {  	[dreg:$0x4] =	wrdreg $0x9  }
0xb1: {  	_ =	task.clear_ibuf [dreg:s6], $0x5FFFF;
	_ =	strace $0x9000004C  }
0xb2: {  	s29 =	simm.s32 $0x9;
	_ =	strace $0x8000004E  }
0xb3: {  	_ =	swait.ge [sflag:s29], $0x1  }
0xb4: {  	[sflag:s29] =	ssyncadd.s32 $0xFFFFFFFF  }
0xb5: {  	_ =	strace $0x9000004E  }
0xb6: {  	_ =	sfence  }
0xb7: {  	s30 =	sld [smem:$0x0];
	_ =	sdelay $0x2  }
0xb8: {  	s31 =	sshll.u32 s1, $0xD;
	s1 =	sshrl.u32 s1, $0x2  }
0xb9: {  	s3 =	sand.u32 $0x4000, s31;
	s1 =	sadd.s32 s1, s30  }
0xba: {  	s0 =	sor.u32 s3, s0;
	s1 =	sshll.u32 s1, $0x11  }
0xbb: {  	s0 =	sor.u32 s1, s0  }
0xbc: {  	s0 =	sadd.s32 $0x8F2B, s0  }
0xbd: {  	[sflag:s0] =	ssyncadd.remote.s32 $0x1  }
0xbe: {  	_ =	sfence.sel $0xFFFF  }
0xbf: {  	[dreg:$0x0] =	wrdreg $0xFFFFFFFF;
	(pc) =	sbr.abs _section_cstart, $3  }
0xc0: {  	[dreg:$0x1] =	wrdreg $0xFFFFFFFF  }
0xc1: {  	_ =	task.clear_ibuf [dreg:s6], $0x2FFFF;
	_ =	strace $0x9FFFFFFF  }
0xc2: {  	(tm) =	ssettm $0x7FFFFFFF  }
0xc3: {  	_ =	shalt  }
tec
execute0_lowered:
.L_overlay_start_1:
0x0: {  	(tag) =	ssettag $0x1  }
0x1: {  	s6 =	rddreg [dreg:$0x0]  }
0x2: {  	s1 =	rddreg [dreg:$0x1];
	s2 =	simm.s32 $0x0  }
0x3: {  	s3 =	srdreg.scid;
	s21 =	simm.s32 $0x80;
	s28 =	simm.s32 $0x2780  }
0x4: {  	s29 =	simm.s32 $0x0;
	[smem:$0x7FF] =	sst s2;
	s7 =	sand.u32 $0x1, s3  }
0x5: {  	s3 =	stileid.u32;
	s4 =	sadd.s32 $0x7B800, s6;
	s10 =	sadd.s32 $0xD000, s6  }
0x6: {  	s11 =	sadd.s32 $0x3000, s6;
	_ =	strace $0x8000004D;
	s8 =	smul.u32 $0x140000, s7  }
0x7: {  	s9 =	smul.u32 $0x14000, s3;
	s5 =	sshll.u32 s7, $0x4;
	s7 =	ssub.s32 $0x2, s7  }
0x8: {  	s13 =	smul.u32 $0x50000, s3;
	s30 =	sshll.u32 s3, $0x6;
	s12 =	sor.u32 s3, s5  }
0x9: {  	s5 =	sadd.s32 $0x2B000, s6;
	s23 =	sshrl.u32 s7, $0x1;
	s22 =	smul.u32 $0x500, s12  }
0xa: {  	s8 =	sadd.s32 s9, s8;
	s24 =	smul.u32 $0x2800, s12;
	s25 =	ssub.s32 s7, s23  }
0xb: {  	s26 =	sshrl.u32 s13, $0x2;
	s13 =	simm.s32 $0x1400;
	s23 =	simm.s32 $0x6800  }
0xc: {  	s8 =	sshrl.u32 s8, $0x3;
	s16 =	sadd.s32 s26, s1;
	s12 =	smax.u32 s25, $0x1  }
0xd: {  	s25 =	simm.s32 $0x3;
	s26 =	simm.s32 $0x2700;
	s14 =	sadd.s32 s8, s6  }
0xe: {  	s6 =	sadd.s32 s10, s22;
	s7 =	sadd.s32 s11, s22;
	s15 =	sshrl.u32 s24, $0x3  }
0xf: {  	s8 =	sor.u32 $0x1C04, s30;
	s17 =	sadd.s32 $0x4000, s16;
	s18 =	sadd.s32 $0x8000, s16  }
0x10: {  	s19 =	sadd.s32 $0xC000, s16;
	s20 =	sadd.s32 $0x10000, s16;
	s22 =	simm.s32 $0x2800  }
0x11: {  	s24 =	simm.s32 $0x2;
	s31 =	sadd.s32 $0x280, s15;
	s15 =	simm.s32 $0x4  }
0x12: {  	s9 =	sadd.s32 s10, s31;
	s10 =	sadd.s32 s11, s31;
	s11 =	sadd.s32 $0xA3800, s14  }
0x13: {  	s14 =	sshrl.u32 s16, $0x3;
	s16 =	sshrl.u32 s17, $0x3;
	s17 =	sshrl.u32 s18, $0x3  }
0x14: {  	s18 =	sshrl.u32 s19, $0x3;
	s19 =	sshrl.u32 s20, $0x3;
	s20 =	simm.s32 $0x1  }
.LBB2_1:
0x15: {  	[tilespmem:s2], [sflag:$0x1] =	stream.linear.gather [hbm4b:s6+s2], $0x1400, $0x38;
	[tilespmem:$0x1E800] =	vst v63  }
0x16: {  	_ = 	snop  }
0x17: {  	[tilespmem:s13], [sflag:$0x1] =	stream.linear.gather [hbm4b:s7+s2], $0x1400, $0x38;
	[tilespmem:$0x1E800] =	vst v63  }
0x18: {  	[spmem:s14], [sflag:s8] =	dma.local [hbm:s5], $0x800  }
0x19: {  	_ =	swait.ge [sflag:s15], $0x800  }
0x1a: {  	[sflag:s15] =	ssyncset.done $0x0  }
0x1b: {  	[sflag:s15] =	ssyncadd.s32 $0xFFFFF800  }
0x1c: {  	[spmem:s16], [sflag:s8] =	dma.local [hbm:s5], $0x800  }
0x1d: {  	_ =	swait.ge [sflag:s15], $0x800  }
0x1e: {  	[sflag:s15] =	ssyncset.done $0x0  }
0x1f: {  	[sflag:s15] =	ssyncadd.s32 $0xFFFFF800  }
0x20: {  	[spmem:s17], [sflag:s8] =	dma.local [hbm:s5], $0x800  }
0x21: {  	_ =	swait.ge [sflag:s15], $0x800  }
0x22: {  	[sflag:s15] =	ssyncset.done $0x0  }
0x23: {  	[sflag:s15] =	ssyncadd.s32 $0xFFFFF800  }
0x24: {  	[spmem:s18], [sflag:s8] =	dma.local [hbm:s5], $0x800  }
0x25: {  	_ =	swait.ge [sflag:s15], $0x800  }
0x26: {  	[sflag:s15] =	ssyncset.done $0x0  }
0x27: {  	[sflag:s15] =	ssyncadd.s32 $0xFFFFF800  }
0x28: {  	[spmem:s19], [sflag:s8] =	dma.local [hbm:s5], $0x800  }
0x29: {  	_ =	swait.ge [sflag:s15], $0x800  }
0x2a: {  	[sflag:s15] =	ssyncset.done $0x0  }
0x2b: {  	[sflag:s15] =	ssyncadd.s32 $0xFFFFF800  }
0x2c: {  	_ =	swait.ge [sflag:s20], $0x1400  }
0x2d: {  	[sflag:s20] =	ssyncset.done $0x0  }
0x2e: {  	[sflag:s20] =	ssyncadd.s32 $0xFFFFEC00  }
0x2f: {  	_ =	swait.ge [sflag:s20], $0x1400  }
0x30: {  	[sflag:s20] =	ssyncset.done $0x0  }
0x31: {  	[sflag:s20] =	ssyncadd.s32 $0xFFFFEC00  }
0x32: {  	[tilespmem:s22], [sflag:$0x2] =	stream.indirect.gather [hbm4b:s4+s21], $0x80, s2, s21, $0xb8;
	[tilespmem:$0x1E800] =	vst v63  }
0x33: {  	_ = 	snop  }
0x34: {  	[tilespmem:s23], [sflag:$0x3] =	stream.indirect.gather [hbm4b:s4+s21], $0x80, s21, s21, $0xb8;
	[tilespmem:$0x1E800] =	vst v63  }
0x35: {  	[bflag:$0x0] =	sbarrier.arrive $0xFFFF  }
0x36: {  	_ =	swait.ge [sflag:s24], $0x4000  }
0x37: {  	[sflag:s24] =	ssyncset.done $0x0  }
0x38: {  	s30 =	simm.s32 $0x1400;
	[sflag:s24] =	ssyncadd.s32 $0xFFFFC000  }
0x39: {  	[spmem:s1] =	stream.indirect.scatter.add.f32 [tilespmem:s22], [sflag:$0x4], $0x80, s30, s21, $0xb8;
	[tilespmem:$0x1E800] =	vst v63  }
0x3a: {  	_ =	swait.ge [sflag:s15], $0x4000  }
0x3b: {  	[sflag:s15] =	ssyncset.done $0x0  }
0x3c: {  	s30 =	simm.s32 $0x100;
	[sflag:s15] =	ssyncadd.s32 $0xFFFFC000  }
0x3d: {  	[tilespmem:s22], [sflag:$0x2] =	stream.indirect.gather [hbm4b:s4+s21], $0x80, s30, s21, $0xb8;
	[tilespmem:$0x1E800] =	vst v63  }
0x3e: {  	_ =	swait.ge [sflag:s25], $0x4000  }
0x3f: {  	[sflag:s25] =	ssyncset.done $0x0  }
0x40: {  	s30 =	simm.s32 $0x1480;
	[sflag:s25] =	ssyncadd.s32 $0xFFFFC000  }
0x41: {  	[spmem:s1] =	stream.indirect.scatter.add.f32 [tilespmem:s23], [sflag:$0x4], $0x80, s30, s21, $0xb8;
	[tilespmem:$0x1E800] =	vst v63  }
0x42: {  	_ =	swait.ge [sflag:s15], $0x4000  }
0x43: {  	[sflag:s15] =	ssyncset.done $0x0  }
0x44: {  	s31 =	simm.s32 $0x180;
	s30 =	simm.s32 $0x400;
	[sflag:s15] =	ssyncadd.s32 $0xFFFFC000  }
.LBB2_2:
0x45: {  	[tilespmem:s23], [sflag:$0x3] =	stream.indirect.gather [hbm4b:s4+s21], $0x80, s31, s21, $0xb8;
	[tilespmem:$0x1E800] =	vst v63  }
0x46: {  	s31 =	smov.u32 s30  }
0x47: {  	p0 =	sne.s32 s30, $0x4800;
	s30 =	sadd.s32 $0x400, s30;
	_ =	swait.ge [sflag:s24], $0x4000  }
0x48: {  	s31 =	sshra.s32 s31, $0x2;
	[sflag:s24] =	ssyncset.done $0x0  }
0x49: {  	s0 =	sadd.s32 $0x1400, s31;
	[sflag:s24] =	ssyncadd.s32 $0xFFFFC000  }
0x4a: {  	[spmem:s1] =	stream.indirect.scatter.add.f32 [tilespmem:s22], [sflag:$0x4], $0x80, s0, s21, $0xb8;
	[tilespmem:$0x1E800] =	vst v63  }
0x4b: {  	_ =	swait.ge [sflag:s15], $0x4000  }
0x4c: {  	[sflag:s15] =	ssyncset.done $0x0  }
0x4d: {  	s0 =	sadd.s32 $0x100, s31;
	[sflag:s15] =	ssyncadd.s32 $0xFFFFC000  }
0x4e: {  	[tilespmem:s22], [sflag:$0x2] =	stream.indirect.gather [hbm4b:s4+s21], $0x80, s0, s21, $0xb8;
	[tilespmem:$0x1E800] =	vst v63  }
0x4f: {  	_ =	swait.ge [sflag:s25], $0x4000  }
0x50: {  	[sflag:s25] =	ssyncset.done $0x0  }
.Ltmp0:
0x51: {  	s0 =	sadd.s32 $0x1480, s31;
	[sflag:s25] =	ssyncadd.s32 $0xFFFFC000;
	(pc) =	sbr.rel @p0 .LBB2_2-.Ltmp0, $4  }
0x52: {  	[spmem:s1] =	stream.indirect.scatter.add.f32 [tilespmem:s23], [sflag:$0x4], $0x80, s0, s21, $0xb8;
	[tilespmem:$0x1E800] =	vst v63  }
0x53: {  	_ =	swait.ge [sflag:s15], $0x4000  }
0x54: {  	[sflag:s15] =	ssyncset.done $0x0  }
0x55: {  	s31 =	sadd.s32 $0x180, s31;
	[sflag:s15] =	ssyncadd.s32 $0xFFFFC000  }
0x56: {  	[tilespmem:s23], [sflag:$0x3] =	stream.indirect.gather [hbm4b:s4+s21], $0x80, s31, s21, $0xb8;
	[tilespmem:$0x1E800] =	vst v63  }
0x57: {  	_ =	swait.ge [sflag:s24], $0x4000  }
0x58: {  	[sflag:s24] =	ssyncset.done $0x0  }
0x59: {  	[sflag:s24] =	ssyncadd.s32 $0xFFFFC000  }
0x5a: {  	[spmem:s1] =	stream.indirect.scatter.add.f32 [tilespmem:s22], [sflag:$0x4], $0x80, s26, s21, $0xb8;
	[tilespmem:$0x1E800] =	vst v63  }
0x5b: {  	_ =	swait.ge [sflag:s15], $0x4000  }
0x5c: {  	[sflag:s15] =	ssyncset.done $0x0  }
0x5d: {  	[sflag:s15] =	ssyncadd.s32 $0xFFFFC000  }
0x5e: {  	_ =	swait.ge [sflag:s25], $0x4000  }
0x5f: {  	[sflag:s25] =	ssyncset.done $0x0  }
0x60: {  	[sflag:s25] =	ssyncadd.s32 $0xFFFFC000  }
0x61: {  	[spmem:s1] =	stream.indirect.scatter.add.f32 [tilespmem:s23], [sflag:$0x4], $0x80, s28, s21, $0xb8;
	[tilespmem:$0x1E800] =	vst v63  }
0x62: {  	_ =	swait.ge [sflag:s15], $0x4000  }
0x63: {  	[sflag:s15] =	ssyncset.done $0x0  }
0x64: {  	s0 =	simm.s32 $0x0;
	[sflag:s15] =	ssyncadd.s32 $0xFFFFC000  }
0x65: {  	[tilespmem:s0], [sflag:$0x1] =	stream.linear.gather [hbm4b:s9+s0], $0x1400, $0x38;
	[tilespmem:$0x1E800] =	vst v63  }
0x66: {  	_ = 	snop  }
0x67: {  	[tilespmem:s13], [sflag:$0x1] =	stream.linear.gather [hbm4b:s10+s0], $0x1400, $0x38;
	[tilespmem:$0x1E800] =	vst v63  }
0x68: {  	_ =	swait.ge [sflag:s20], $0x1400  }
0x69: {  	[sflag:s20] =	ssyncset.done $0x0  }
0x6a: {  	[sflag:s20] =	ssyncadd.s32 $0xFFFFEC00  }
0x6b: {  	_ =	swait.ge [sflag:s20], $0x1400  }
0x6c: {  	[sflag:s20] =	ssyncset.done $0x0  }
0x6d: {  	[sflag:s20] =	ssyncadd.s32 $0xFFFFEC00  }
0x6e: {  	[tilespmem:s22], [sflag:$0x2] =	stream.indirect.gather [hbm4b:s4+s21], $0x80, s0, s21, $0xb8;
	[tilespmem:$0x1E800] =	vst v63  }
0x6f: {  	_ = 	snop  }
0x70: {  	[tilespmem:s23], [sflag:$0x3] =	stream.indirect.gather [hbm4b:s4+s21], $0x80, s21, s21, $0xb8;
	[tilespmem:$0x1E800] =	vst v63  }
0x71: {  	_ =	swait.ge [sflag:s24], $0x4000  }
0x72: {  	[sflag:s24] =	ssyncset.done $0x0  }
0x73: {  	s0 =	simm.s32 $0x1400;
	[sflag:s24] =	ssyncadd.s32 $0xFFFFC000  }
0x74: {  	[spmem:s1] =	stream.indirect.scatter.add.f32 [tilespmem:s22], [sflag:$0x4], $0x80, s0, s21, $0xb8;
	[tilespmem:$0x1E800] =	vst v63  }
0x75: {  	_ =	swait.ge [sflag:s15], $0x4000  }
0x76: {  	[sflag:s15] =	ssyncset.done $0x0  }
0x77: {  	s0 =	simm.s32 $0x100;
	[sflag:s15] =	ssyncadd.s32 $0xFFFFC000  }
0x78: {  	[tilespmem:s22], [sflag:$0x2] =	stream.indirect.gather [hbm4b:s4+s21], $0x80, s0, s21, $0xb8;
	[tilespmem:$0x1E800] =	vst v63  }
0x79: {  	_ =	swait.ge [sflag:s25], $0x4000  }
0x7a: {  	[sflag:s25] =	ssyncset.done $0x0  }
0x7b: {  	s0 =	simm.s32 $0x1480;
	[sflag:s25] =	ssyncadd.s32 $0xFFFFC000  }
0x7c: {  	[spmem:s1] =	stream.indirect.scatter.add.f32 [tilespmem:s23], [sflag:$0x4], $0x80, s0, s21, $0xb8;
	[tilespmem:$0x1E800] =	vst v63  }
0x7d: {  	_ =	swait.ge [sflag:s15], $0x4000  }
0x7e: {  	[sflag:s15] =	ssyncset.done $0x0  }
0x7f: {  	s30 =	simm.s32 $0x400;
	s31 =	simm.s32 $0x180;
	[sflag:s15] =	ssyncadd.s32 $0xFFFFC000  }
.LBB2_4:
0x80: {  	[tilespmem:s23], [sflag:$0x3] =	stream.indirect.gather [hbm4b:s4+s21], $0x80, s31, s21, $0xb8;
	[tilespmem:$0x1E800] =	vst v63  }
0x81: {  	s0 =	smov.u32 s30  }
0x82: {  	p0 =	sne.s32 s30, $0x4800;
	s30 =	sadd.s32 $0x400, s30;
	_ =	swait.ge [sflag:s24], $0x4000  }
0x83: {  	s0 =	sshra.s32 s0, $0x2;
	[sflag:s24] =	ssyncset.done $0x0  }
0x84: {  	s31 =	sadd.s32 $0x1400, s0;
	[sflag:s24] =	ssyncadd.s32 $0xFFFFC000  }
0x85: {  	[spmem:s1] =	stream.indirect.scatter.add.f32 [tilespmem:s22], [sflag:$0x4], $0x80, s31, s21, $0xb8;
	[tilespmem:$0x1E800] =	vst v63  }
0x86: {  	_ =	swait.ge [sflag:s15], $0x4000  }
0x87: {  	[sflag:s15] =	ssyncset.done $0x0  }
0x88: {  	s31 =	sadd.s32 $0x100, s0;
	[sflag:s15] =	ssyncadd.s32 $0xFFFFC000  }
0x89: {  	[tilespmem:s22], [sflag:$0x2] =	stream.indirect.gather [hbm4b:s4+s21], $0x80, s31, s21, $0xb8;
	[tilespmem:$0x1E800] =	vst v63  }
0x8a: {  	_ =	swait.ge [sflag:s25], $0x4000  }
0x8b: {  	[sflag:s25] =	ssyncset.done $0x0  }
.Ltmp1:
0x8c: {  	s31 =	sadd.s32 $0x1480, s0;
	[sflag:s25] =	ssyncadd.s32 $0xFFFFC000;
	(pc) =	sbr.rel @p0 .LBB2_4-.Ltmp1, $4  }
0x8d: {  	[spmem:s1] =	stream.indirect.scatter.add.f32 [tilespmem:s23], [sflag:$0x4], $0x80, s31, s21, $0xb8;
	[tilespmem:$0x1E800] =	vst v63  }
0x8e: {  	_ =	swait.ge [sflag:s15], $0x4000  }
0x8f: {  	[sflag:s15] =	ssyncset.done $0x0  }
0x90: {  	s31 =	sadd.s32 $0x180, s0;
	[sflag:s15] =	ssyncadd.s32 $0xFFFFC000  }
0x91: {  	[tilespmem:s23], [sflag:$0x3] =	stream.indirect.gather [hbm4b:s4+s21], $0x80, s31, s21, $0xb8;
	[tilespmem:$0x1E800] =	vst v63  }
0x92: {  	_ =	swait.ge [sflag:s24], $0x4000  }
0x93: {  	[sflag:s24] =	ssyncset.done $0x0  }
0x94: {  	[sflag:s24] =	ssyncadd.s32 $0xFFFFC000  }
0x95: {  	[spmem:s1] =	stream.indirect.scatter.add.f32 [tilespmem:s22], [sflag:$0x4], $0x80, s26, s21, $0xb8;
	[tilespmem:$0x1E800] =	vst v63  }
0x96: {  	_ =	swait.ge [sflag:s15], $0x4000  }
0x97: {  	[sflag:s15] =	ssyncset.done $0x0  }
0x98: {  	[sflag:s15] =	ssyncadd.s32 $0xFFFFC000  }
0x99: {  	_ =	swait.ge [sflag:s25], $0x4000  }
0x9a: {  	[sflag:s25] =	ssyncset.done $0x0  }
0x9b: {  	[sflag:s25] =	ssyncadd.s32 $0xFFFFC000  }
0x9c: {  	[spmem:s1] =	stream.indirect.scatter.add.f32 [tilespmem:s23], [sflag:$0x4], $0x80, s28, s21, $0xb8;
	[tilespmem:$0x1E800] =	vst v63  }
0x9d: {  	_ =	swait.ge [sflag:s15], $0x4000  }
0x9e: {  	s29 =	sadd.s32 $0x1, s29;
	[sflag:s15] =	ssyncset.done $0x0  }
0x9f: {  	p0 =	sne.s32 s29, s12;
	[sflag:s15] =	ssyncadd.s32 $0xFFFFC000  }
.Ltmp2:
0xa0: {  	[bflag:$0x0] =	sbarrier.arrive $0xFFFF;
	(pc) =	sbr.rel @p0 .LBB2_1-.Ltmp2, $4  }
0xa1: {  	[hbm:s11], [sflag:s8] =	dma.local [spmem:s14], $0x2800  }
0xa2: {  	_ =	swait.ge [sflag:s15], $0x2800  }
0xa3: {  	[sflag:s15] =	ssyncset.done $0x0  }
0xa4: {  	[sflag:s15] =	ssyncadd.s32 $0xFFFFD800  }
0xa5: {  	_ =	sfence.sel $0x180000  }
0xa6: {  	[bflag:$0x0] =	sbarrier.arrive $0xFFFF  }
0xa7: {  	_ =	strace $0x9000004D  }
0xa8: {  	[bflag:$0x2] =	sbarrier.arrive $0xFFFF  }
0xa9: {  	p0 =	sne.s32 s3, $0x0;
	s0 =	rddreg [dreg:$0x2]  }
0xaa: {  	s0 =	sadd.s32 @!p0 $0x100000, s0  }
0xab: {  	[sflag:s0] =	ssyncadd.tile.s32 @!p0 $0x1;
	_ =	shalt  }
.Lfunc_end2:
_tile_overlayer_lowered:
.L_overlay_start_2:
0xac: {  	(tag) =	ssettag $0x2  }
0xad: {  	s0 =	rddreg [dreg:$0x0];
	s2 =	stileid.u32  }
0xae: {  	s1 =	rddreg [dreg:$0x1];
	p0 =	sne.s32 s2, $0x0  }
0xaf: {  	s3 =	rddreg [dreg:$0x2];
	[bflag:$0x3] =	sbarrier.arrive $0xFFFF;
	s2 =	simm.s32 @!p0 $0x1C04  }
0xb0: {  	[timem:s3], [sflag:s2] =	dma.local @!p0 [hbm:s0], s1  }
0xb1: {  	s0 =	simm.s32 @!p0 $0x4  }
0xb2: {  	_ =	swait.ge @!p0 [sflag:s0], s1  }
0xb3: {  	s1 =	ssub.s32 @!p0 $0x0, s1;
	[sflag:s0] =	ssyncset.done @!p0 $0x0  }
0xb4: {  	[sflag:s0] =	ssyncadd.s32 @!p0 s1  }
0xb5: {  	[bflag:$0x3] =	sbarrier.arrive $0xFFFF  }
0xb6: {  	_ =	shalt  }

// kernel: kernel.8.cloned.1.call-start
scs
__scs_entry_jumppad:
0x0: {  	(pc) =	sbr.rel $0x88, $3  }
0x1: {  	(tag) =	ssettag $0x0;
	lr =	simm.s32 $0x1  }
0x2: {  	[smem:$0x3F99] =	sst lr;
	_ =	strace $0xD0000000  }
0x3: {  	_ = 	snop  }
0x4: {  	_ = 	snop  }
0x5: {  	_ = 	snop  }
0x6: {  	_ = 	snop  }
0x7: {  	_ = 	snop  }
__scs_overlays_trampoline_lowered:
0x8: {  	[smem:$0x3FA8] =	sst s0  }
0x9: {  	[smem:$0x3FA9] =	sst s1  }
0xa: {  	[smem:$0x3FAA] =	sst s2  }
0xb: {  	[smem:$0x3FAB] =	sst s3  }
0xc: {  	[smem:$0x3FAC] =	sst s4  }
0xd: {  	[smem:$0x3FAD] =	sst s5  }
0xe: {  	[smem:$0x3FAE] =	sst s6  }
0xf: {  	[smem:$0x3FAF] =	sst s7  }
0x10: {  	[smem:$0x3FB0] =	sst s8  }
0x11: {  	[smem:$0x3FB1] =	sst s9;
	s0 =	simm.s32 @!p0 $0x0  }
0x12: {  	s1 =	sld [smem:$0x3F97];
	s0 =	simm.s32 @p0 $0x1  }
0x13: {  	[smem:$0x3FB2] =	sst s0;
	s0 =	simm.s32 @!p1 $0x0  }
0x14: {  	s2 =	sld [smem:$0x3F96];
	s0 =	simm.s32 @p1 $0x1  }
0x15: {  	[smem:$0x3FB3] =	sst s0;
	s0 =	simm.s32 @!p2 $0x0  }
0x16: {  	s3 =	sld [smem:$0x3FDB];
	s0 =	simm.s32 @p2 $0x1  }
0x17: {  	s4 =	simm.s32 $0x1BF5;
	[smem:$0x3FB5] =	sst s0  }
0x18: {  	s0 =	sld [smem:$0x3F98];
	_ =	swait.ge [sflag:s4], $0x0  }
0x19: {  	s7 =	sld [smem:$0x3F99]  }
0x1a: {  	s8 =	sadd.s32 $0xFFFFE003, lr  }
0x1b: {  	s9 =	sadd.s32 $0xFFFFFEF7, lr;
	s5 =	simm.s32 $0xFFFFFFFF;
	p2 =	slt.u32 s8, $0xFFFFF086  }
0x1c: {  	p1 =	slt.u32 s9, $0xF7A;
	s5 =	simm.s32 @!p2 $0x0  }
0x1d: {  	s5 =	simm.s32 @p1 $0x1;
	p0 =	seq.s32 s7, s2  }
0x1e: {  	s7 =	smul.u32 @!p0 $0xF7A, s2;
	p2 =	seq.s32 @!p0 s5, $0x0  }
0x1f: {  	s9 =	smul.u32 $0xF7A, s1;
	s8 =	simm.s32 @!p0 $0x1BF5;
	p2 =	por !p2, p0  }
0x20: {  	[sflag:s8] =	ssyncset.s32 @!p0 $0xFFFFF086;
	s6 =	sadd.s32 @!p0 s3, s7;
	s7 =	simm.s32 @!p0 $0x108  }
0x21: {  	s3 =	sadd.s32 s3, s9;
	s6 =	sadd.s32 @!p0 $0x88, s6;
	s7 =	simm.s32 @p2 $0x1082  }
0x22: {  	[simem:s7], [sflag:s8] =	dma.local @!p0 [hbm:s6], $0xF7A  }
0x23: {  	s9 =	sor.u32 $0xD0000000, s2;
	s6 =	simm.s32 $0x108;
	_ =	swait.ge @!p0 [sflag:s8], $0x0  }
0x24: {  	s3 =	sadd.s32 $0x88, s3;
	s6 =	simm.s32 @!p1 $0x1082;
	[sflag:s4] =	ssyncset.s32 $0xFFFFF086  }
0x25: {  	[simem:s6], [sflag:s4] =	dma.local [hbm:s3], $0xF7A  }
0x26: {  	[smem:$0x3F99] =	sst s1;
	(tag) =	ssettag s2;
	_ =	strace s9  }
0x27: {  	s1 =	sld [smem:$0x3FA9]  }
0x28: {  	s2 =	sld [smem:$0x3FAA]  }
0x29: {  	s4 =	sld [smem:$0x3FAC]  }
0x2a: {  	p0 =	seq.s32 s5, $0x0;
	s5 =	sld [smem:$0x3FAD]  }
0x2b: {  	s6 =	sld [smem:$0x3FAE]  }
0x2c: {  	s7 =	sld [smem:$0x3FAF]  }
0x2d: {  	s3 =	simm.s32 $0x108;
	s8 =	sld [smem:$0x3FB0]  }
0x2e: {  	s3 =	simm.s32 @!p0 $0x1082;
	s9 =	sld [smem:$0x3FB1]  }
0x2f: {  	lr =	sadd.s32 s0, s3;
	s0 =	sld [smem:$0x3FA8]  }
0x30: {  	s3 =	sld [smem:$0x3FAB]  }
0x31: {  	[smem:$0x3FB4] =	sst s10  }
0x32: {  	s10 =	sld [smem:$0x3FB2];
	_ =	sdelay $0x3  }
0x33: {  	p0 =	seq.s32 s10, $0x1;
	s10 =	sld [smem:$0x3FB4];
	_ =	sdelay $0x3  }
0x34: {  	[smem:$0x3FB4] =	sst s10  }
0x35: {  	s10 =	sld [smem:$0x3FB3];
	_ =	sdelay $0x3  }
0x36: {  	p1 =	seq.s32 s10, $0x1;
	s10 =	sld [smem:$0x3FB4];
	_ =	sdelay $0x3  }
0x37: {  	[smem:$0x3FB4] =	sst s10  }
0x38: {  	s10 =	sld [smem:$0x3FB5]  }
0x39: {  	_ = 	snop;
	(pc) =	sbr.ind lr, $3  }
0x3a: {  	_ = 	snop  }
0x3b: {  	_ = 	snop  }
0x3c: {  	p2 =	seq.s32 s10, $0x1;
	s10 =	sld [smem:$0x3FB4]  }
0x3d: {  	_ =	shalt  }
0x3e: {  	_ =	shalt  }
0x3f: {  	_ =	shalt  }
0x40: {  	_ =	shalt  }
0x41: {  	_ =	shalt  }
0x42: {  	_ =	shalt  }
0x43: {  	_ =	shalt  }
0x44: {  	_ =	shalt  }
0x45: {  	_ =	shalt  }
0x46: {  	_ =	shalt  }
0x47: {  	_ =	shalt  }
0x48: {  	_ =	shalt  }
0x49: {  	_ =	shalt  }
0x4a: {  	_ =	shalt  }
0x4b: {  	_ =	shalt  }
0x4c: {  	_ =	shalt  }
0x4d: {  	_ =	shalt  }
0x4e: {  	_ =	shalt  }
0x4f: {  	_ =	shalt  }
0x50: {  	_ =	shalt  }
0x51: {  	_ =	shalt  }
0x52: {  	_ =	shalt  }
0x53: {  	_ =	shalt  }
0x54: {  	_ =	shalt  }
0x55: {  	_ =	shalt  }
0x56: {  	_ =	shalt  }
0x57: {  	_ =	shalt  }
0x58: {  	_ =	shalt  }
0x59: {  	_ =	shalt  }
0x5a: {  	_ =	shalt  }
0x5b: {  	_ =	shalt  }
0x5c: {  	_ =	shalt  }
0x5d: {  	_ =	shalt  }
0x5e: {  	_ =	shalt  }
0x5f: {  	_ =	shalt  }
0x60: {  	_ =	shalt  }
0x61: {  	_ =	shalt  }
0x62: {  	_ =	shalt  }
0x63: {  	_ =	shalt  }
0x64: {  	_ =	shalt  }
0x65: {  	_ =	shalt  }
0x66: {  	_ =	shalt  }
0x67: {  	_ =	shalt  }
0x68: {  	_ =	shalt  }
0x69: {  	_ =	shalt  }
0x6a: {  	_ =	shalt  }
0x6b: {  	_ =	shalt  }
0x6c: {  	_ =	shalt  }
0x6d: {  	_ =	shalt  }
0x6e: {  	_ =	shalt  }
0x6f: {  	_ =	shalt  }
0x70: {  	_ =	shalt  }
0x71: {  	_ =	shalt  }
0x72: {  	_ =	shalt  }
0x73: {  	_ =	shalt  }
0x74: {  	_ =	shalt  }
0x75: {  	_ =	shalt  }
0x76: {  	_ =	shalt  }
0x77: {  	_ =	shalt  }
0x78: {  	_ =	shalt  }
0x79: {  	_ =	shalt  }
0x7a: {  	_ =	shalt  }
0x7b: {  	_ =	shalt  }
0x7c: {  	_ =	shalt  }
0x7d: {  	_ =	shalt  }
0x7e: {  	_ =	shalt  }
0x7f: {  	_ =	shalt  }
0x80: {  	_ =	shalt  }
0x81: {  	_ =	shalt  }
0x82: {  	_ =	shalt  }
0x83: {  	_ =	shalt  }
0x84: {  	_ =	shalt  }
0x85: {  	_ =	shalt  }
0x86: {  	_ =	shalt  }
0x87: {  	_ =	shalt  }
.Lfunc_end0:
.L_simem_size_0:
called_computation_lowered:
.L_overlay_start_0:
0x88: {  	s2 =	sld [smem:$0x3FD9]  }
0x89: {  	s3 =	sld [smem:$0x3FFE];
	_ =	sdelay $0x1  }
0x8a: {  	s1 =	srdreg.scid  }
0x8b: {  	s0 =	sand.u32 $0x1, s1  }
0x8c: {  	s16 =	sshll.u32 s0, $0xA;
	s2 =	sadd.s32 s3, s2  }
0x8d: {  	s2 =	sadd.s32 s2, s16  }
0x8e: {  	[smem:$0x3FC0] =	sst s2  }
0x8f: {  	_ = 	snop  }
0x90: {  	(tm) =	ssettm $0x1  }
0x91: {  	s17 =	sld [smem:$0x3FFB];
	_ =	sdelay $0x3  }
0x92: {  	_ =	strace s17  }
0x93: {  	s2 =	sld [smem:$0x3FFC];
	_ =	sdelay $0x3  }
0x94: {  	_ =	strace s2  }
0x95: {  	s2 =	sld [smem:$0x3FFD];
	_ =	sdelay $0x3  }
0x96: {  	_ =	strace s2  }
0x97: {  	_ =	strace $0x8FFFFFFF  }
0x98: {  	s18 =	sld [smem:$0x3FDB];
	_ =	sdelay $0x1  }
0x99: {  	s19 =	simm.s32 $_scs_section_size  }
0x9a: {  	s4 =	simm.s32 $_size__tile_overlayer_lowered;
	s5 =	simm.s32 $_tile_overlayer_lowered  }
0x9b: {  	s22 =	simm.s32 $0x1BFF;
	s21 =	sshll.u32 s5, $0x1;
	s2 =	sadd.s32 s19, s18  }
0x9c: {  	s6 =	simm.s32 $0x0;
	s20 =	sshll.u32 s4, $0x1;
	s4 =	sadd.s32 s21, s2  }
0x9d: {  	[timem:s6], [sflag:s22] =	dma.local [hbm:s4], s20  }
0x9e: {  	_ =	swait.ge [sflag:s22], s20  }
0x9f: {  	s3 =	ssub.s32 $0x0, s20;
	[sflag:s22] =	ssyncset.done $0x0  }
0xa0: {  	[sflag:s22] =	ssyncadd.s32 s3;
	_ =	sdelay $0x1  }
0xa1: {  	s23 =	simm.s32 $0x1B8B  }
0xa2: {  	_ =	swait.ge [sflag:s23], $0x1  }
0xa3: {  	[sflag:s23] =	ssyncset.done $0x0  }
0xa4: {  	s25 =	simm.s32 $0x1B8E;
	s24 =	sld [smem:$0x3FFE];
	[sflag:s23] =	ssyncadd.s32 $0xFFFFFFFF  }
0xa5: {  	s26 =	simm.s32 $execute0_lowered;
	[smem:$0x3FD2] =	sst s25  }
0xa6: {  	s4 =	sshll.u32 s26, $0x1;
	_ =	strace $0x80000046;
	[dreg:$0x1] =	wrdreg $0xFFFFFFFF  }
0xa7: {  	s28 =	simm.s32 $_size_execute0_lowered;
	s2 =	sadd.s32 s2, s4;
	[dreg:$0x0] =	wrdreg $0x0  }
0xa8: {  	s4 =	sshll.u32 s28, $0x1;
	[dreg:$0x2] =	wrdreg s2  }
0xa9: {  	[dreg:$0x3] =	wrdreg s4  }
0xaa: {  	[dreg:$0x4] =	wrdreg $0xC0  }
0xab: {  	_ =	task [dreg:s6], $0x5FFFF  }
0xac: {  	[dreg:$0x1] =	wrdreg $0xFFFFFFFF  }
0xad: {  	[dreg:$0x0] =	wrdreg $0x60  }
0xae: {  	[dreg:$0x2] =	wrdreg s24  }
0xaf: {  	[dreg:$0x3] =	wrdreg $0x78000  }
0xb0: {  	[dreg:$0x4] =	wrdreg $0x9  }
0xb1: {  	_ =	task.clear_ibuf [dreg:s6], $0x5FFFF;
	_ =	strace $0x90000046  }
0xb2: {  	s29 =	simm.s32 $0x9;
	_ =	strace $0x80000048  }
0xb3: {  	_ =	swait.ge [sflag:s29], $0x1  }
0xb4: {  	[sflag:s29] =	ssyncadd.s32 $0xFFFFFFFF  }
0xb5: {  	_ =	strace $0x90000048  }
0xb6: {  	_ =	sfence  }
0xb7: {  	s30 =	sld [smem:$0x0];
	_ =	sdelay $0x2  }
0xb8: {  	s31 =	sshll.u32 s1, $0xD;
	s1 =	sshrl.u32 s1, $0x2  }
0xb9: {  	s3 =	sand.u32 $0x4000, s31;
	s1 =	sadd.s32 s1, s30  }
0xba: {  	s0 =	sor.u32 s3, s0;
	s1 =	sshll.u32 s1, $0x11  }
0xbb: {  	s0 =	sor.u32 s1, s0  }
0xbc: {  	s0 =	sadd.s32 $0x8F2B, s0  }
0xbd: {  	[sflag:s0] =	ssyncadd.remote.s32 $0x1  }
0xbe: {  	_ =	sfence.sel $0xFFFF  }
0xbf: {  	[dreg:$0x0] =	wrdreg $0xFFFFFFFF;
	(pc) =	sbr.abs _section_cstart, $3  }
0xc0: {  	[dreg:$0x1] =	wrdreg $0xFFFFFFFF  }
0xc1: {  	_ =	task.clear_ibuf [dreg:s6], $0x2FFFF;
	_ =	strace $0x9FFFFFFF  }
0xc2: {  	(tm) =	ssettm $0x7FFFFFFF  }
0xc3: {  	_ =	shalt  }
tec
execute0_lowered:
.L_overlay_start_1:
0x0: {  	(tag) =	ssettag $0x1  }
0x1: {  	s5 =	rddreg [dreg:$0x0]  }
0x2: {  	s0 =	srdreg.scid;
	s2 =	rddreg [dreg:$0x1]  }
0x3: {  	s1 =	rddreg [dreg:$0x2];
	s3 =	simm.s32 $0x0;
	s12 =	simm.s32 $0x2  }
0x4: {  	s13 =	simm.s32 $0x5800;
	s14 =	simm.s32 $0x6000;
	s4 =	sand.u32 $0x1, s0  }
0x5: {  	s15 =	simm.s32 $0x6800;
	s0 =	stileid.u32;
	s6 =	smul.u32 $0x50000, s4  }
0x6: {  	s16 =	simm.s32 $0x7000;
	[smem:$0x7FF] =	sst s3;
	s7 =	smul.u32 $0x5000, s0  }
0x7: {  	s17 =	simm.s32 $0x0;
	s31 =	smul.u32 $0x2800, s4;
	_ =	strace $0x80000047  }
0x8: {  	s8 =	sshll.u32 s0, $0xA;
	s9 =	ssub.s32 $0x2, s4;
	s4 =	sadd.s32 $0x2B000, s5  }
0x9: {  	p0 =	sgt.u32 s0, $0x9;
	s10 =	sshrl.u32 s9, $0x1;
	s11 =	sadd.s32 s8, s2  }
0xa: {  	s6 =	sadd.s32 s7, s6;
	s7 =	sadd.s32 s8, s31;
	s9 =	ssub.s32 s9, s10  }
0xb: {  	s8 =	simm.s32 $0x5000;
	s10 =	sshll.u32 @!p0 s0, $0x6;
	s6 =	sshrl.u32 s6, $0x3  }
0xc: {  	v0 =	vlaneseq.u32;
	s11 =	sshrl.u32 @!p0 s11, $0x3;
	s7 =	sshrl.u32 s7, $0x3;
	s6 =	sadd.s32 s6, s5  }
0xd: {  	v1 =	vimm.f32 $1.000000000e+00;
	vm0 =	vmmov $0xffff;
	v2 =	vor.u32 $0x10, v0;
	s10 =	sor.u32 @!p0 $0x1C02, s10;
	s7 =	sadd.s32 s7, s5;
	s5 =	sadd.s32 $0x17000, s6  }
0xe: {  	v3 =	vor.u32 $0x20, v0;
	v4 =	vor.u32 $0x30, v0;
	v5 =	vor.u32 $0x40, v0;
	s6 =	sadd.s32 $0x2B800, s7;
	s7 =	smax.u32 s9, $0x1;
	s9 =	simm.s32 $0x1  }
.LBB2_1:
0xf: {  	[tilespmem:s8], [sflag:$0x1] =	stream.linear.gather [hbm4b:s4+s3], $0x2800, $0x38;
	[tilespmem:$0x7A80] =	vst v63  }
0x10: {  	_ =	swait.ge [sflag:s9], $0x2800  }
0x11: {  	[sflag:s9] =	ssyncset.done $0x0  }
0x12: {  	s18 =	simm.s32 @!p0 $0x2;
	[sflag:s9] =	ssyncadd.s32 $0xFFFFD800  }
0x13: {  	[spmem:s11], [sflag:s10] =	dma.local @!p0 [hbm:s4], $0x80  }
0x14: {  	_ =	swait.ge @!p0 [sflag:s18], $0x80  }
0x15: {  	[sflag:s18] =	ssyncset.done @!p0 $0x0  }
0x16: {  	[sflag:s18] =	ssyncadd.s32 @!p0 $0xFFFFFF80  }
0x17: {  	[tilespmem:s3], [sflag:$0x1] =	stream.linear.gather [hbm4b:s5+s3], $0x5000, $0x38;
	[tilespmem:$0x7A80] =	vst v63  }
0x18: {  	_ =	swait.ge [sflag:s9], $0x5000  }
0x19: {  	[sflag:s9] =	ssyncset.done $0x0  }
0x1a: {  	s18 =	simm.s32 $0x1C0;
	[sflag:s9] =	ssyncadd.s32 $0xFFFFB000  }
.LBB2_2:
0x1b: {  	s19 =	sshra.s32 s18, $0x2  }
0x1c: {  	v6 =	vld [tilespmem:s19+$0xFFFFFF90];
	_ =	sdelay $0x7  }
0x1d: {  	[tilespmem:v6+s8+$0x0] =	vst.idx.add.f32.msk $0xffff, v1  }
0x1e: {  	v6 =	vld [tilespmem:s19+$0xFFFFFFA0];
	_ =	sdelay $0x7  }
0x1f: {  	[tilespmem:v6+s8+$0x0] =	vst.idx.add.f32.msk $0xffff, v1  }
0x20: {  	v6 =	vld [tilespmem:s19+$0xFFFFFFB0];
	_ =	sdelay $0x7  }
0x21: {  	[tilespmem:v6+s8+$0x0] =	vst.idx.add.f32.msk $0xffff, v1  }
0x22: {  	v6 =	vld [tilespmem:s19+$0xFFFFFFC0];
	_ =	sdelay $0x7  }
0x23: {  	[tilespmem:v6+s8+$0x0] =	vst.idx.add.f32.msk $0xffff, v1  }
0x24: {  	v6 =	vld [tilespmem:s19+$0xFFFFFFD0];
	_ =	sdelay $0x7  }
0x25: {  	[tilespmem:v6+s8+$0x0] =	vst.idx.add.f32.msk $0xffff, v1  }
0x26: {  	v6 =	vld [tilespmem:s19+$0xFFFFFFE0];
	_ =	sdelay $0x7  }
0x27: {  	[tilespmem:v6+s8+$0x0] =	vst.idx.add.f32.msk $0xffff, v1  }
0x28: {  	v6 =	vld [tilespmem:s19+$0xFFFFFFF0];
	_ =	sdelay $0x7  }
0x29: {  	[tilespmem:v6+s8+$0x0] =	vst.idx.add.f32.msk $0xffff, v1  }
0x2a: {  	v6 =	vld [tilespmem:s19+$0x0];
	_ =	sdelay $0x2  }
0x2b: {  	p1 =	sne.s32 s18, $0x13FC0  }
.Ltmp0:
0x2c: {  	_ = 	snop;
	(pc) =	sbr.rel @p1 .LBB2_2-.Ltmp0, $2  }
0x2d: {  	_ =	sdelay $0x2  }
0x2e: {  	s18 =	sadd.s32 $0x200, s18;
	[tilespmem:v6+s8+$0x0] =	vst.idx.add.f32.msk $0xffff, v1  }
0x2f: {  	_ =	sdelay $0x2  }
0x30: {  	[bflag:$0x0] =	sbarrier.arrive $0xFFFF  }
0x31: {  	[spmem:s2] =	stream.indirect_vreg.scatter.add.f32 [tilespmem:s8], [sflag:$0x2], $0x80, v0, vm0, $0xb8;
	[tilespmem:$0x7A80] =	vst v63  }
0x32: {  	_ =	swait.ge [sflag:s12], $0x800  }
0x33: {  	[sflag:s12] =	ssyncset.done $0x0  }
0x34: {  	[sflag:s12] =	ssyncadd.s32 $0xFFFFF800  }
0x35: {  	[spmem:s2] =	stream.indirect_vreg.scatter.add.f32 [tilespmem:s13], [sflag:$0x2], $0x80, v2, vm0, $0xb8;
	[tilespmem:$0x7A80] =	vst v63  }
0x36: {  	_ =	swait.ge [sflag:s12], $0x800  }
0x37: {  	[sflag:s12] =	ssyncset.done $0x0  }
0x38: {  	[sflag:s12] =	ssyncadd.s32 $0xFFFFF800  }
0x39: {  	[spmem:s2] =	stream.indirect_vreg.scatter.add.f32 [tilespmem:s14], [sflag:$0x2], $0x80, v3, vm0, $0xb8;
	[tilespmem:$0x7A80] =	vst v63  }
0x3a: {  	_ =	swait.ge [sflag:s12], $0x800  }
0x3b: {  	[sflag:s12] =	ssyncset.done $0x0  }
0x3c: {  	[sflag:s12] =	ssyncadd.s32 $0xFFFFF800  }
0x3d: {  	[spmem:s2] =	stream.indirect_vreg.scatter.add.f32 [tilespmem:s15], [sflag:$0x2], $0x80, v4, vm0, $0xb8;
	[tilespmem:$0x7A80] =	vst v63  }
0x3e: {  	_ =	swait.ge [sflag:s12], $0x800  }
0x3f: {  	[sflag:s12] =	ssyncset.done $0x0  }
0x40: {  	[sflag:s12] =	ssyncadd.s32 $0xFFFFF800  }
0x41: {  	[spmem:s2] =	stream.indirect_vreg.scatter.add.f32 [tilespmem:s16], [sflag:$0x2], $0x80, v5, vm0, $0xb8;
	[tilespmem:$0x7A80] =	vst v63  }
0x42: {  	_ =	swait.ge [sflag:s12], $0x800  }
0x43: {  	s17 =	sadd.s32 $0x1, s17;
	[sflag:s12] =	ssyncset.done $0x0  }
0x44: {  	p1 =	sne.s32 s17, s7;
	[sflag:s12] =	ssyncadd.s32 $0xFFFFF800  }
.Ltmp1:
0x45: {  	s18 =	simm.s32 @!p0 $0x2;
	[bflag:$0x0] =	sbarrier.arrive $0xFFFF;
	(pc) =	sbr.rel @p1 .LBB2_1-.Ltmp1, $4  }
0x46: {  	[hbm:s6], [sflag:s10] =	dma.local @!p0 [spmem:s11], $0x80  }
0x47: {  	_ =	swait.ge @!p0 [sflag:s18], $0x80  }
0x48: {  	[sflag:s18] =	ssyncset.done @!p0 $0x0  }
0x49: {  	[sflag:s18] =	ssyncadd.s32 @!p0 $0xFFFFFF80  }
0x4a: {  	_ =	sfence.sel $0x180000  }
0x4b: {  	[bflag:$0x0] =	sbarrier.arrive $0xFFFF  }
0x4c: {  	p0 =	sne.s32 s0, $0x0;
	_ =	strace $0x90000047  }
0x4d: {  	s0 =	sadd.s32 @!p0 $0x100000, s1;
	[bflag:$0x2] =	sbarrier.arrive $0xFFFF  }
0x4e: {  	[sflag:s0] =	ssyncadd.tile.s32 @!p0 $0x1;
	_ =	shalt  }
.Lfunc_end2:
_tile_overlayer_lowered:
.L_overlay_start_2:
0x4f: {  	(tag) =	ssettag $0x2  }
0x50: {  	s0 =	rddreg [dreg:$0x0];
	s2 =	stileid.u32  }
0x51: {  	s1 =	rddreg [dreg:$0x1];
	p0 =	sne.s32 s2, $0x0  }
0x52: {  	s3 =	rddreg [dreg:$0x2];
	[bflag:$0x3] =	sbarrier.arrive $0xFFFF;
	s2 =	simm.s32 @!p0 $0x1C02  }
0x53: {  	[timem:s3], [sflag:s2] =	dma.local @!p0 [hbm:s0], s1  }
0x54: {  	s0 =	simm.s32 @!p0 $0x2  }
0x55: {  	_ =	swait.ge @!p0 [sflag:s0], s1  }
0x56: {  	s1 =	ssub.s32 @!p0 $0x0, s1;
	[sflag:s0] =	ssyncset.done @!p0 $0x0  }
0x57: {  	[sflag:s0] =	ssyncadd.s32 @!p0 s1  }
0x58: {  	[bflag:$0x3] =	sbarrier.arrive $0xFFFF  }
0x59: {  	_ =	shalt  }

</sc_bundles>
